<compile_context>
chip_gen: v7x
topology: tpu7x:2x2x1
jax: 0.10.2.dev20260603
libtpu: 0.0.44.dev20260713+nightly
codegen_flags: <defaults>
</compile_context>

<pallas_src>
import functools

import jax
import jax.numpy as jnp
from jax import lax
from jax.experimental import pallas as pl
from jax.experimental.pallas import tpu as pltpu
from jax.experimental.pallas import tpu_sc as plsc

B, L, D = 4096, 50, 64
N = B * L
NT = 4
DOUT = NT * D

_info = plsc.get_sparse_core_info()
NC, NS = _info.num_cores, _info.num_subcores
NW = NC * NS
B_PER_W = B // NW
PAIRS = B_PER_W // 2


def _make_kernel():
    mesh = plsc.VectorSubcoreMesh(core_axis_name="c", subcore_axis_name="s")

    LP = 64

    def set_scratch():
        return (
            [pltpu.VMEM((LP,), jnp.int32) for _ in range(NT)]
            + [pltpu.VMEM((LP,), jnp.int32) for _ in range(NT)]
            + [pltpu.VMEM((LP,), jnp.int32) for _ in range(NT)]
            + [pltpu.VMEM((L, 2 * D), jnp.float32) for _ in range(NT)]
            + [pltpu.VMEM((L, DOUT), jnp.float32)]
        )

    @functools.partial(
        pl.kernel,
        mesh=mesh,
        out_type=jax.ShapeDtypeStruct((B, L, DOUT), jnp.float32),
        scratch_types=[
            *set_scratch(), *set_scratch(),
            pltpu.SemaphoreType.DMA, pltpu.SemaphoreType.DMA,
            pltpu.SemaphoreType.DMA, pltpu.SemaphoreType.DMA,
            pltpu.SemaphoreType.DMA, pltpu.SemaphoreType.DMA,
        ],
        compiler_params=pltpu.CompilerParams(needs_layout_passes=False,
                                             disable_bounds_checks=True,
                                             skip_device_barrier=True),
    )
    def k(gids, sids, cids, pids, gt2, st2, ct2, pt2, out, *refs):
        wid = lax.axis_index("s") * NC + lax.axis_index("c")
        b0 = wid * B_PER_W

        ids = (gids, sids, cids, pids)
        tabs = (gt2, st2, ct2, pt2)
        per_set = 3 * NT + NT + 1
        sets = []
        for s in range(2):
            r = refs[s * per_set:(s + 1) * per_set]
            sets.append(dict(raw=r[0:NT], gix=r[NT:2 * NT],
                             par=r[2 * NT:3 * NT], bg=r[3 * NT:4 * NT],
                             cc=r[4 * NT]))
        sem_p = refs[2 * per_set:2 * per_set + 2]
        sem_g = refs[2 * per_set + 2:2 * per_set + 4]
        sem_w = refs[2 * per_set + 4:2 * per_set + 6]

        def prefetch_ids(s, batch):
            @pl.when(batch < B_PER_W)
            def _():
                for t in range(NT):
                    pltpu.async_copy(ids[t].at[pl.ds((b0 + batch) * LP, LP)],
                                     sets[s]["raw"][t], sem_p[s])

        def wait_ids(s):
            for t in range(NT):
                pltpu.make_async_copy(ids[t].at[pl.ds(b0 * LP, LP)],
                                      sets[s]["raw"][t], sem_p[s]).wait()

        def build_gix(s):
            st = sets[s]
            for t in range(NT):
                raw, gix, par = st["raw"][t], st["gix"][t], st["par"][t]
                for g in range(4):
                    v = raw[pl.ds(16 * g, 16)]
                    gix[pl.ds(16 * g, 16)] = v >> 1
                    par[pl.ds(16 * g, 16)] = v & 1

        def fire_gathers(s):
            st = sets[s]
            return [pltpu.async_copy(
                        tabs[t].at[st["gix"][t].at[pl.ds(0, L)]],
                        st["bg"][t], sem_g[s])
                    for t in range(NT)]

        iota16 = lax.broadcasted_iota(jnp.int32, (16,), 0)

        cbase = [iota16 + 16 * j for j in range(D // 16)]

        def select(s):
            st = sets[s]
            cc = st["cc"]

            def tok(i, _):
                ri = iota16 * 0 + i
                offs = [plsc.load_gather(st["par"][t], [ri]) * D
                        for t in range(NT)]
                for j in range(D // 16):
                    vals = [plsc.load_gather(st["bg"][t],
                                             [ri, offs[t] + cbase[j]])
                            for t in range(NT)]
                    for t in range(NT):
                        plsc.store_scatter(cc, [ri, cbase[j] + t * D],
                                           vals[t])
                return 0

            lax.fori_loop(0, L, tok, 0)

        def write(s, batch):
            pltpu.async_copy(sets[s]["cc"], out.at[b0 + batch], sem_w[s])

        def drain_write(s):
            pltpu.make_async_copy(out.at[b0], sets[s]["cc"], sem_w[s]).wait()

        prefetch_ids(0, 0)
        prefetch_ids(1, 1)

        def pair(j, _):
            c0, c1 = 2 * j, 2 * j + 1
            wait_ids(0)
            build_gix(0)
            prefetch_ids(0, c0 + 2)
            g0 = fire_gathers(0)

            wait_ids(1)
            build_gix(1)
            prefetch_ids(1, c1 + 2)
            g1 = fire_gathers(1)

            for c in g0:
                c.wait()

            @pl.when(j > 0)
            def _():
                drain_write(0)
            select(0)
            write(0, c0)
            for c in g1:
                c.wait()

            @pl.when(j > 0)
            def _():
                drain_write(1)
            select(1)
            write(1, c1)
            return 0

        lax.fori_loop(0, PAIRS, pair, 0)
        drain_write(0)
        drain_write(1)

    return k


_kern = _make_kernel()


def _pad_ids(x):
    return jnp.pad(x, ((0, 0), (0, 64 - L))).reshape(-1)


def kernel(goods_ids, shop_ids, cate_ids, goods_prices,
           goods_table, shop_table, cate_table, price_table):
    return _kern(_pad_ids(goods_ids), _pad_ids(shop_ids),
                 _pad_ids(cate_ids), _pad_ids(goods_prices),
                 goods_table.reshape(-1, 2 * D),
                 shop_table.reshape(-1, 2 * D),
                 cate_table.reshape(-1, 2 * D),
                 price_table.reshape(-1, 2 * D))

# --- scband reference (transcript-rebuilt; emitter-appended) ---
"""Pipeline reference for scband-items-embedding-14431090115277 (READ-ONLY COPY).

The authoritative reference and input builder live on the scoring server;
editing this copy changes nothing except your own understanding.
"""

import jax, jax.numpy as jnp
import numpy as np

B, L, D = 4096, 50, 64
GOODS_V, SHOP_V, CATE_V, PRICE_V = 1000000, 100000, 1000, 1000


def setup_inputs(seed: int = 0) -> dict:
    key = jax.random.key(seed)
    ks = jax.random.split(key, 8)
    goods_ids = jax.random.randint(ks[0], (B, L), 0, GOODS_V, dtype=jnp.int64 if jax.config.jax_enable_x64 else jnp.int32).astype(jnp.int32)
    shop_ids = jax.random.randint(ks[1], (B, L), 0, SHOP_V).astype(jnp.int32)
    cate_ids = jax.random.randint(ks[2], (B, L), 0, CATE_V).astype(jnp.int32)
    goods_prices = jax.random.randint(ks[3], (B, L), 0, PRICE_V).astype(jnp.int32)
    goods_table = jax.random.normal(ks[4], (GOODS_V, D), dtype=jnp.float32) * 0.05
    shop_table = jax.random.normal(ks[5], (SHOP_V, D), dtype=jnp.float32) * 0.05
    cate_table = jax.random.normal(ks[6], (CATE_V, D), dtype=jnp.float32) * 0.05
    price_table = jax.random.normal(ks[7], (PRICE_V, D), dtype=jnp.float32) * 0.05
    return {
        "goods_ids": goods_ids,
        "shop_ids": shop_ids,
        "cate_ids": cate_ids,
        "goods_prices": goods_prices,
        "goods_table": goods_table,
        "shop_table": shop_table,
        "cate_table": cate_table,
        "price_table": price_table,
    }


def reference(goods_ids, shop_ids, cate_ids, goods_prices,
              goods_table, shop_table, cate_table, price_table):
    # SequenceFeatures embedding lookup per feature column -> [B, L, D] each
    gids_emb = jnp.take(goods_table, goods_ids, axis=0)
    sids_emb = jnp.take(shop_table, shop_ids, axis=0)
    cids_emb = jnp.take(cate_table, cate_ids, axis=0)
    gprices_emb = jnp.take(price_table, goods_prices, axis=0)
    # concat along feature axis -> [B, L, 4*D]; dropout is identity at inference
    items_rep = jnp.concatenate([gids_emb, sids_emb, cids_emb, gprices_emb], axis=-1)
    return items_rep

if __name__ == "__main__":
    import jax
    _d = setup_inputs()
    print(jax.jit(kernel)(*tuple(_d.values())))

</pallas_src>

<mosaic_0001>
#map = affine_map<(d0, d1) -> (0)>
#map1 = affine_map<(d0, d1) -> (0, 0)>
#map2 = affine_map<(d0, d1) -> (0, 0, 0)>
module attributes {stable_mosaic.version = 14 : i64} {
  func.func @k(%arg0: i32, %arg1: i32, %arg2: memref<262144xi32, #tpu.memory_space<hbm>>, %arg3: memref<262144xi32, #tpu.memory_space<hbm>>, %arg4: memref<262144xi32, #tpu.memory_space<hbm>>, %arg5: memref<262144xi32, #tpu.memory_space<hbm>>, %arg6: memref<500000x128xf32, #tpu.memory_space<hbm>>, %arg7: memref<50000x128xf32, #tpu.memory_space<hbm>>, %arg8: memref<500x128xf32, #tpu.memory_space<hbm>>, %arg9: memref<500x128xf32, #tpu.memory_space<hbm>>, %arg10: memref<4096x50x256xf32, #tpu.memory_space<hbm>>, %arg11: memref<64xi32, #tpu.memory_space<vmem>>, %arg12: memref<64xi32, #tpu.memory_space<vmem>>, %arg13: memref<64xi32, #tpu.memory_space<vmem>>, %arg14: memref<64xi32, #tpu.memory_space<vmem>>, %arg15: memref<64xi32, #tpu.memory_space<vmem>>, %arg16: memref<64xi32, #tpu.memory_space<vmem>>, %arg17: memref<64xi32, #tpu.memory_space<vmem>>, %arg18: memref<64xi32, #tpu.memory_space<vmem>>, %arg19: memref<64xi32, #tpu.memory_space<vmem>>, %arg20: memref<64xi32, #tpu.memory_space<vmem>>, %arg21: memref<64xi32, #tpu.memory_space<vmem>>, %arg22: memref<64xi32, #tpu.memory_space<vmem>>, %arg23: memref<50x128xf32, #tpu.memory_space<vmem>>, %arg24: memref<50x128xf32, #tpu.memory_space<vmem>>, %arg25: memref<50x128xf32, #tpu.memory_space<vmem>>, %arg26: memref<50x128xf32, #tpu.memory_space<vmem>>, %arg27: memref<50x256xf32, #tpu.memory_space<vmem>>, %arg28: memref<64xi32, #tpu.memory_space<vmem>>, %arg29: memref<64xi32, #tpu.memory_space<vmem>>, %arg30: memref<64xi32, #tpu.memory_space<vmem>>, %arg31: memref<64xi32, #tpu.memory_space<vmem>>, %arg32: memref<64xi32, #tpu.memory_space<vmem>>, %arg33: memref<64xi32, #tpu.memory_space<vmem>>, %arg34: memref<64xi32, #tpu.memory_space<vmem>>, %arg35: memref<64xi32, #tpu.memory_space<vmem>>, %arg36: memref<64xi32, #tpu.memory_space<vmem>>, %arg37: memref<64xi32, #tpu.memory_space<vmem>>, %arg38: memref<64xi32, #tpu.memory_space<vmem>>, %arg39: memref<64xi32, #tpu.memory_space<vmem>>, %arg40: memref<50x128xf32, #tpu.memory_space<vmem>>, %arg41: memref<50x128xf32, #tpu.memory_space<vmem>>, %arg42: memref<50x128xf32, #tpu.memory_space<vmem>>, %arg43: memref<50x128xf32, #tpu.memory_space<vmem>>, %arg44: memref<50x256xf32, #tpu.memory_space<vmem>>, %arg45: memref<!tpu.dma_semaphore, #tpu.memory_space<semaphore_mem>>, %arg46: memref<!tpu.dma_semaphore, #tpu.memory_space<semaphore_mem>>, %arg47: memref<!tpu.dma_semaphore, #tpu.memory_space<semaphore_mem>>, %arg48: memref<!tpu.dma_semaphore, #tpu.memory_space<semaphore_mem>>, %arg49: memref<!tpu.dma_semaphore, #tpu.memory_space<semaphore_mem>>, %arg50: memref<!tpu.dma_semaphore, #tpu.memory_space<semaphore_mem>>) attributes {dimension_semantics = [#tpu.dimension_semantics<core_parallel>, #tpu.dimension_semantics<subcore_parallel>], iteration_bounds = array<i64: 2, 16>, scalar_prefetch = 0 : i64, scratch_operands = 40 : i64, tpu.core_type = #tpu.core_type<sc_vector_subcore>, window_params = [{transform_indices = #map}, {transform_indices = #map}, {transform_indices = #map}, {transform_indices = #map}, {transform_indices = #map1}, {transform_indices = #map1}, {transform_indices = #map1}, {transform_indices = #map1}, {transform_indices = #map2}]} {
    %mul3A = arith.constant 2 : i32
    %mul3A_0 = arith.muli %arg1, %mul3A : i32
    %add3A = arith.addi %mul3A_0, %arg0 : i32
    %mul3A_1 = arith.constant 128 : i32
    %mul3A_2 = arith.muli %add3A, %mul3A_1 : i32
    %iota3A = tpu.iota {dimensions = array<i32: 0>} : vector<16xi32>
    %add3A_3 = arith.constant 0 : i32
    %add3A_4 = vector.broadcast %add3A_3 : i32 to vector<16xi32>
    %add3A_5 = arith.addi %iota3A, %add3A_4 : vector<16xi32>
    %add3A_6 = arith.constant 16 : i32
    %add3A_7 = vector.broadcast %add3A_6 : i32 to vector<16xi32>
    %add3A_8 = arith.addi %iota3A, %add3A_7 : vector<16xi32>
    %add3A_9 = arith.constant 32 : i32
    %add3A_10 = vector.broadcast %add3A_9 : i32 to vector<16xi32>
    %add3A_11 = arith.addi %iota3A, %add3A_10 : vector<16xi32>
    %add3A_12 = arith.constant 48 : i32
    %add3A_13 = vector.broadcast %add3A_12 : i32 to vector<16xi32>
    %add3A_14 = arith.addi %iota3A, %add3A_13 : vector<16xi32>
    %add3A_15 = arith.constant 0 : i32
    %add3A_16 = arith.addi %mul3A_2, %add3A_15 : i32
    %mul3A_17 = arith.constant 64 : i32
    %mul3A_18 = arith.muli %add3A_16, %mul3A_17 : i32
    %dma_start3A = tpu.memref_slice %arg2[%mul3A_18] : memref<262144xi32, #tpu.memory_space<hbm>> -> memref<64xi32, #tpu.memory_space<hbm>>
    %dma_start3A_19 = tpu.memref_slice %arg2[%mul3A_18] : memref<262144xi32, #tpu.memory_space<hbm>> -> memref<64xi32, #tpu.memory_space<hbm>>
    tpu.enqueue_dma source(%dma_start3A_19 : memref<64xi32, #tpu.memory_space<hbm>>) target(%arg11 : memref<64xi32, #tpu.memory_space<vmem>>) target_semaphore(%arg45 : memref<!tpu.dma_semaphore, #tpu.memory_space<semaphore_mem>>)
    %add3A_20 = arith.constant 0 : i32
    %add3A_21 = arith.addi %mul3A_2, %add3A_20 : i32
    %mul3A_22 = arith.constant 64 : i32
    %mul3A_23 = arith.muli %add3A_21, %mul3A_22 : i32
    %dma_start3A_24 = tpu.memref_slice %arg3[%mul3A_23] : memref<262144xi32, #tpu.memory_space<hbm>> -> memref<64xi32, #tpu.memory_space<hbm>>
    %dma_start3A_25 = tpu.memref_slice %arg3[%mul3A_23] : memref<262144xi32, #tpu.memory_space<hbm>> -> memref<64xi32, #tpu.memory_space<hbm>>
    tpu.enqueue_dma source(%dma_start3A_25 : memref<64xi32, #tpu.memory_space<hbm>>) target(%arg12 : memref<64xi32, #tpu.memory_space<vmem>>) target_semaphore(%arg45 : memref<!tpu.dma_semaphore, #tpu.memory_space<semaphore_mem>>)
    %add3A_26 = arith.constant 0 : i32
    %add3A_27 = arith.addi %mul3A_2, %add3A_26 : i32
    %mul3A_28 = arith.constant 64 : i32
    %mul3A_29 = arith.muli %add3A_27, %mul3A_28 : i32
    %dma_start3A_30 = tpu.memref_slice %arg4[%mul3A_29] : memref<262144xi32, #tpu.memory_space<hbm>> -> memref<64xi32, #tpu.memory_space<hbm>>
    %dma_start3A_31 = tpu.memref_slice %arg4[%mul3A_29] : memref<262144xi32, #tpu.memory_space<hbm>> -> memref<64xi32, #tpu.memory_space<hbm>>
    tpu.enqueue_dma source(%dma_start3A_31 : memref<64xi32, #tpu.memory_space<hbm>>) target(%arg13 : memref<64xi32, #tpu.memory_space<vmem>>) target_semaphore(%arg45 : memref<!tpu.dma_semaphore, #tpu.memory_space<semaphore_mem>>)
    %add3A_32 = arith.constant 0 : i32
    %add3A_33 = arith.addi %mul3A_2, %add3A_32 : i32
    %mul3A_34 = arith.constant 64 : i32
    %mul3A_35 = arith.muli %add3A_33, %mul3A_34 : i32
    %dma_start3A_36 = tpu.memref_slice %arg5[%mul3A_35] : memref<262144xi32, #tpu.memory_space<hbm>> -> memref<64xi32, #tpu.memory_space<hbm>>
    %dma_start3A_37 = tpu.memref_slice %arg5[%mul3A_35] : memref<262144xi32, #tpu.memory_space<hbm>> -> memref<64xi32, #tpu.memory_space<hbm>>
    tpu.enqueue_dma source(%dma_start3A_37 : memref<64xi32, #tpu.memory_space<hbm>>) target(%arg14 : memref<64xi32, #tpu.memory_space<vmem>>) target_semaphore(%arg45 : memref<!tpu.dma_semaphore, #tpu.memory_space<semaphore_mem>>)
    %add3A_38 = arith.constant 1 : i32
    %add3A_39 = arith.addi %mul3A_2, %add3A_38 : i32
    %mul3A_40 = arith.constant 64 : i32
    %mul3A_41 = arith.muli %add3A_39, %mul3A_40 : i32
    %dma_start3A_42 = tpu.memref_slice %arg2[%mul3A_41] : memref<262144xi32, #tpu.memory_space<hbm>> -> memref<64xi32, #tpu.memory_space<hbm>>
    %dma_start3A_43 = tpu.memref_slice %arg2[%mul3A_41] : memref<262144xi32, #tpu.memory_space<hbm>> -> memref<64xi32, #tpu.memory_space<hbm>>
    tpu.enqueue_dma source(%dma_start3A_43 : memref<64xi32, #tpu.memory_space<hbm>>) target(%arg28 : memref<64xi32, #tpu.memory_space<vmem>>) target_semaphore(%arg46 : memref<!tpu.dma_semaphore, #tpu.memory_space<semaphore_mem>>)
    %add3A_44 = arith.constant 1 : i32
    %add3A_45 = arith.addi %mul3A_2, %add3A_44 : i32
    %mul3A_46 = arith.constant 64 : i32
    %mul3A_47 = arith.muli %add3A_45, %mul3A_46 : i32
    %dma_start3A_48 = tpu.memref_slice %arg3[%mul3A_47] : memref<262144xi32, #tpu.memory_space<hbm>> -> memref<64xi32, #tpu.memory_space<hbm>>
    %dma_start3A_49 = tpu.memref_slice %arg3[%mul3A_47] : memref<262144xi32, #tpu.memory_space<hbm>> -> memref<64xi32, #tpu.memory_space<hbm>>
    tpu.enqueue_dma source(%dma_start3A_49 : memref<64xi32, #tpu.memory_space<hbm>>) target(%arg29 : memref<64xi32, #tpu.memory_space<vmem>>) target_semaphore(%arg46 : memref<!tpu.dma_semaphore, #tpu.memory_space<semaphore_mem>>)
    %add3A_50 = arith.constant 1 : i32
    %add3A_51 = arith.addi %mul3A_2, %add3A_50 : i32
    %mul3A_52 = arith.constant 64 : i32
    %mul3A_53 = arith.muli %add3A_51, %mul3A_52 : i32
    %dma_start3A_54 = tpu.memref_slice %arg4[%mul3A_53] : memref<262144xi32, #tpu.memory_space<hbm>> -> memref<64xi32, #tpu.memory_space<hbm>>
    %dma_start3A_55 = tpu.memref_slice %arg4[%mul3A_53] : memref<262144xi32, #tpu.memory_space<hbm>> -> memref<64xi32, #tpu.memory_space<hbm>>
    tpu.enqueue_dma source(%dma_start3A_55 : memref<64xi32, #tpu.memory_space<hbm>>) target(%arg30 : memref<64xi32, #tpu.memory_space<vmem>>) target_semaphore(%arg46 : memref<!tpu.dma_semaphore, #tpu.memory_space<semaphore_mem>>)
    %add3A_56 = arith.constant 1 : i32
    %add3A_57 = arith.addi %mul3A_2, %add3A_56 : i32
    %mul3A_58 = arith.constant 64 : i32
    %mul3A_59 = arith.muli %add3A_57, %mul3A_58 : i32
    %dma_start3A_60 = tpu.memref_slice %arg5[%mul3A_59] : memref<262144xi32, #tpu.memory_space<hbm>> -> memref<64xi32, #tpu.memory_space<hbm>>
    %dma_start3A_61 = tpu.memref_slice %arg5[%mul3A_59] : memref<262144xi32, #tpu.memory_space<hbm>> -> memref<64xi32, #tpu.memory_space<hbm>>
    tpu.enqueue_dma source(%dma_start3A_61 : memref<64xi32, #tpu.memory_space<hbm>>) target(%arg31 : memref<64xi32, #tpu.memory_space<vmem>>) target_semaphore(%arg46 : memref<!tpu.dma_semaphore, #tpu.memory_space<semaphore_mem>>)
    %scan3A = arith.constant 0 : i32
    %scan3A_62 = arith.constant 0 : i32
    %scan3A_63 = arith.constant 64 : i32
    %scan3A_64 = arith.addi %scan3A_62, %scan3A_63 : i32
    %scan3A_65 = arith.constant 1 : i32
    %scan3A_66 = scf.for %scan3A_83 = %scan3A_62 to %scan3A_64 step %scan3A_65 iter_args(%scan3A_84 = %scan3A) -> (i32)  : i32 {
      %mul3A_85 = arith.constant 2 : i32
      %mul3A_86 = arith.muli %mul3A_85, %scan3A_83 : i32
      %mul3A_87 = arith.constant 2 : i32
      %mul3A_88 = arith.muli %mul3A_87, %scan3A_83 : i32
      %add3A_89 = arith.constant 1 : i32
      %add3A_90 = arith.addi %mul3A_88, %add3A_89 : i32
      %mul3A_91 = arith.constant 64 : i32
      %mul3A_92 = arith.muli %mul3A_2, %mul3A_91 : i32
      %dma_wait3A_93 = tpu.memref_slice %arg2[%mul3A_92] : memref<262144xi32, #tpu.memory_space<hbm>> -> memref<64xi32, #tpu.memory_space<hbm>>
      %dma_wait3A_94 = tpu.memref_slice %arg2[%mul3A_92] : memref<262144xi32, #tpu.memory_space<hbm>> -> memref<64xi32, #tpu.memory_space<hbm>>
      tpu.wait_dma2 semaphore(%arg45 : memref<!tpu.dma_semaphore, #tpu.memory_space<semaphore_mem>>) src(%dma_wait3A_94 : memref<64xi32, #tpu.memory_space<hbm>>) dst(%arg11 : memref<64xi32, #tpu.memory_space<vmem>>)
      %mul3A_95 = arith.constant 64 : i32
      %mul3A_96 = arith.muli %mul3A_2, %mul3A_95 : i32
      %dma_wait3A_97 = tpu.memref_slice %arg3[%mul3A_96] : memref<262144xi32, #tpu.memory_space<hbm>> -> memref<64xi32, #tpu.memory_space<hbm>>
      %dma_wait3A_98 = tpu.memref_slice %arg3[%mul3A_96] : memref<262144xi32, #tpu.memory_space<hbm>> -> memref<64xi32, #tpu.memory_space<hbm>>
      tpu.wait_dma2 semaphore(%arg45 : memref<!tpu.dma_semaphore, #tpu.memory_space<semaphore_mem>>) src(%dma_wait3A_98 : memref<64xi32, #tpu.memory_space<hbm>>) dst(%arg12 : memref<64xi32, #tpu.memory_space<vmem>>)
      %mul3A_99 = arith.constant 64 : i32
      %mul3A_100 = arith.muli %mul3A_2, %mul3A_99 : i32
      %dma_wait3A_101 = tpu.memref_slice %arg4[%mul3A_100] : memref<262144xi32, #tpu.memory_space<hbm>> -> memref<64xi32, #tpu.memory_space<hbm>>
      %dma_wait3A_102 = tpu.memref_slice %arg4[%mul3A_100] : memref<262144xi32, #tpu.memory_space<hbm>> -> memref<64xi32, #tpu.memory_space<hbm>>
      tpu.wait_dma2 semaphore(%arg45 : memref<!tpu.dma_semaphore, #tpu.memory_space<semaphore_mem>>) src(%dma_wait3A_102 : memref<64xi32, #tpu.memory_space<hbm>>) dst(%arg13 : memref<64xi32, #tpu.memory_space<vmem>>)
      %mul3A_103 = arith.constant 64 : i32
      %mul3A_104 = arith.muli %mul3A_2, %mul3A_103 : i32
      %dma_wait3A_105 = tpu.memref_slice %arg5[%mul3A_104] : memref<262144xi32, #tpu.memory_space<hbm>> -> memref<64xi32, #tpu.memory_space<hbm>>
      %dma_wait3A_106 = tpu.memref_slice %arg5[%mul3A_104] : memref<262144xi32, #tpu.memory_space<hbm>> -> memref<64xi32, #tpu.memory_space<hbm>>
      tpu.wait_dma2 semaphore(%arg45 : memref<!tpu.dma_semaphore, #tpu.memory_space<semaphore_mem>>) src(%dma_wait3A_106 : memref<64xi32, #tpu.memory_space<hbm>>) dst(%arg14 : memref<64xi32, #tpu.memory_space<vmem>>)
      %get3A = arith.constant 0 : index
      %get3A_107 = tpu.vector_load %arg11[%get3A] {strides = array<i32>} : memref<64xi32, #tpu.memory_space<vmem>>, vector<16xi32>,
      %shift_right_arithmetic3A = arith.constant 1 : i32
      %shift_right_arithmetic3A_108 = vector.broadcast %shift_right_arithmetic3A : i32 to vector<16xi32>
      %shift_right_arithmetic3A_109 = arith.shrsi %get3A_107, %shift_right_arithmetic3A_108 : vector<16xi32>
      %swap3A = arith.constant 0 : index
      %swap3A_110 = tpu.vector_load %arg15[%swap3A] {strides = array<i32>} : memref<64xi32, #tpu.memory_space<vmem>>, vector<16xi32>,
      tpu.vector_store %arg15[%swap3A], %shift_right_arithmetic3A_109 {strides = array<i32>} : memref<64xi32, #tpu.memory_space<vmem>>, vector<16xi32>,
      %and3A = arith.constant 1 : i32
      %and3A_111 = vector.broadcast %and3A : i32 to vector<16xi32>
      %and3A_112 = arith.andi %get3A_107, %and3A_111 : vector<16xi32>
      %swap3A_113 = arith.constant 0 : index
      %swap3A_114 = tpu.vector_load %arg19[%swap3A_113] {strides = array<i32>} : memref<64xi32, #tpu.memory_space<vmem>>, vector<16xi32>,
      tpu.vector_store %arg19[%swap3A_113], %and3A_112 {strides = array<i32>} : memref<64xi32, #tpu.memory_space<vmem>>, vector<16xi32>,
      %get3A_115 = arith.constant 16 : index
      %get3A_116 = tpu.vector_load %arg11[%get3A_115] {strides = array<i32>} : memref<64xi32, #tpu.memory_space<vmem>>, vector<16xi32>,
      %shift_right_arithmetic3A_117 = arith.constant 1 : i32
      %shift_right_arithmetic3A_118 = vector.broadcast %shift_right_arithmetic3A_117 : i32 to vector<16xi32>
      %shift_right_arithmetic3A_119 = arith.shrsi %get3A_116, %shift_right_arithmetic3A_118 : vector<16xi32>
      %swap3A_120 = arith.constant 16 : index
      %swap3A_121 = tpu.vector_load %arg15[%swap3A_120] {strides = array<i32>} : memref<64xi32, #tpu.memory_space<vmem>>, vector<16xi32>,
      tpu.vector_store %arg15[%swap3A_120], %shift_right_arithmetic3A_119 {strides = array<i32>} : memref<64xi32, #tpu.memory_space<vmem>>, vector<16xi32>,
      %and3A_122 = arith.constant 1 : i32
      %and3A_123 = vector.broadcast %and3A_122 : i32 to vector<16xi32>
      %and3A_124 = arith.andi %get3A_116, %and3A_123 : vector<16xi32>
      %swap3A_125 = arith.constant 16 : index
      %swap3A_126 = tpu.vector_load %arg19[%swap3A_125] {strides = array<i32>} : memref<64xi32, #tpu.memory_space<vmem>>, vector<16xi32>,
      tpu.vector_store %arg19[%swap3A_125], %and3A_124 {strides = array<i32>} : memref<64xi32, #tpu.memory_space<vmem>>, vector<16xi32>,
      %get3A_127 = arith.constant 32 : index
      %get3A_128 = tpu.vector_load %arg11[%get3A_127] {strides = array<i32>} : memref<64xi32, #tpu.memory_space<vmem>>, vector<16xi32>,
      %shift_right_arithmetic3A_129 = arith.constant 1 : i32
      %shift_right_arithmetic3A_130 = vector.broadcast %shift_right_arithmetic3A_129 : i32 to vector<16xi32>
      %shift_right_arithmetic3A_131 = arith.shrsi %get3A_128, %shift_right_arithmetic3A_130 : vector<16xi32>
      %swap3A_132 = arith.constant 32 : index
      %swap3A_133 = tpu.vector_load %arg15[%swap3A_132] {strides = array<i32>} : memref<64xi32, #tpu.memory_space<vmem>>, vector<16xi32>,
      tpu.vector_store %arg15[%swap3A_132], %shift_right_arithmetic3A_131 {strides = array<i32>} : memref<64xi32, #tpu.memory_space<vmem>>, vector<16xi32>,
      %and3A_134 = arith.constant 1 : i32
      %and3A_135 = vector.broadcast %and3A_134 : i32 to vector<16xi32>
      %and3A_136 = arith.andi %get3A_128, %and3A_135 : vector<16xi32>
      %swap3A_137 = arith.constant 32 : index
      %swap3A_138 = tpu.vector_load %arg19[%swap3A_137] {strides = array<i32>} : memref<64xi32, #tpu.memory_space<vmem>>, vector<16xi32>,
      tpu.vector_store %arg19[%swap3A_137], %and3A_136 {strides = array<i32>} : memref<64xi32, #tpu.memory_space<vmem>>, vector<16xi32>,
      %get3A_139 = arith.constant 48 : index
      %get3A_140 = tpu.vector_load %arg11[%get3A_139] {strides = array<i32>} : memref<64xi32, #tpu.memory_space<vmem>>, vector<16xi32>,
      %shift_right_arithmetic3A_141 = arith.constant 1 : i32
      %shift_right_arithmetic3A_142 = vector.broadcast %shift_right_arithmetic3A_141 : i32 to vector<16xi32>
      %shift_right_arithmetic3A_143 = arith.shrsi %get3A_140, %shift_right_arithmetic3A_142 : vector<16xi32>
      %swap3A_144 = arith.constant 48 : index
      %swap3A_145 = tpu.vector_load %arg15[%swap3A_144] {strides = array<i32>} : memref<64xi32, #tpu.memory_space<vmem>>, vector<16xi32>,
      tpu.vector_store %arg15[%swap3A_144], %shift_right_arithmetic3A_143 {strides = array<i32>} : memref<64xi32, #tpu.memory_space<vmem>>, vector<16xi32>,
      %and3A_146 = arith.constant 1 : i32
      %and3A_147 = vector.broadcast %and3A_146 : i32 to vector<16xi32>
      %and3A_148 = arith.andi %get3A_140, %and3A_147 : vector<16xi32>
      %swap3A_149 = arith.constant 48 : index
      %swap3A_150 = tpu.vector_load %arg19[%swap3A_149] {strides = array<i32>} : memref<64xi32, #tpu.memory_space<vmem>>, vector<16xi32>,
      tpu.vector_store %arg19[%swap3A_149], %and3A_148 {strides = array<i32>} : memref<64xi32, #tpu.memory_space<vmem>>, vector<16xi32>,
      %get3A_151 = arith.constant 0 : index
      %get3A_152 = tpu.vector_load %arg12[%get3A_151] {strides = array<i32>} : memref<64xi32, #tpu.memory_space<vmem>>, vector<16xi32>,
      %shift_right_arithmetic3A_153 = arith.constant 1 : i32
      %shift_right_arithmetic3A_154 = vector.broadcast %shift_right_arithmetic3A_153 : i32 to vector<16xi32>
      %shift_right_arithmetic3A_155 = arith.shrsi %get3A_152, %shift_right_arithmetic3A_154 : vector<16xi32>
      %swap3A_156 = arith.constant 0 : index
      %swap3A_157 = tpu.vector_load %arg16[%swap3A_156] {strides = array<i32>} : memref<64xi32, #tpu.memory_space<vmem>>, vector<16xi32>,
      tpu.vector_store %arg16[%swap3A_156], %shift_right_arithmetic3A_155 {strides = array<i32>} : memref<64xi32, #tpu.memory_space<vmem>>, vector<16xi32>,
      %and3A_158 = arith.constant 1 : i32
      %and3A_159 = vector.broadcast %and3A_158 : i32 to vector<16xi32>
      %and3A_160 = arith.andi %get3A_152, %and3A_159 : vector<16xi32>
      %swap3A_161 = arith.constant 0 : index
      %swap3A_162 = tpu.vector_load %arg20[%swap3A_161] {strides = array<i32>} : memref<64xi32, #tpu.memory_space<vmem>>, vector<16xi32>,
      tpu.vector_store %arg20[%swap3A_161], %and3A_160 {strides = array<i32>} : memref<64xi32, #tpu.memory_space<vmem>>, vector<16xi32>,
      %get3A_163 = arith.constant 16 : index
      %get3A_164 = tpu.vector_load %arg12[%get3A_163] {strides = array<i32>} : memref<64xi32, #tpu.memory_space<vmem>>, vector<16xi32>,
      %shift_right_arithmetic3A_165 = arith.constant 1 : i32
      %shift_right_arithmetic3A_166 = vector.broadcast %shift_right_arithmetic3A_165 : i32 to vector<16xi32>
      %shift_right_arithmetic3A_167 = arith.shrsi %get3A_164, %shift_right_arithmetic3A_166 : vector<16xi32>
      %swap3A_168 = arith.constant 16 : index
      %swap3A_169 = tpu.vector_load %arg16[%swap3A_168] {strides = array<i32>} : memref<64xi32, #tpu.memory_space<vmem>>, vector<16xi32>,
      tpu.vector_store %arg16[%swap3A_168], %shift_right_arithmetic3A_167 {strides = array<i32>} : memref<64xi32, #tpu.memory_space<vmem>>, vector<16xi32>,
      %and3A_170 = arith.constant 1 : i32
      %and3A_171 = vector.broadcast %and3A_170 : i32 to vector<16xi32>
      %and3A_172 = arith.andi %get3A_164, %and3A_171 : vector<16xi32>
      %swap3A_173 = arith.constant 16 : index
      %swap3A_174 = tpu.vector_load %arg20[%swap3A_173] {strides = array<i32>} : memref<64xi32, #tpu.memory_space<vmem>>, vector<16xi32>,
      tpu.vector_store %arg20[%swap3A_173], %and3A_172 {strides = array<i32>} : memref<64xi32, #tpu.memory_space<vmem>>, vector<16xi32>,
      %get3A_175 = arith.constant 32 : index
      %get3A_176 = tpu.vector_load %arg12[%get3A_175] {strides = array<i32>} : memref<64xi32, #tpu.memory_space<vmem>>, vector<16xi32>,
      %shift_right_arithmetic3A_177 = arith.constant 1 : i32
      %shift_right_arithmetic3A_178 = vector.broadcast %shift_right_arithmetic3A_177 : i32 to vector<16xi32>
      %shift_right_arithmetic3A_179 = arith.shrsi %get3A_176, %shift_right_arithmetic3A_178 : vector<16xi32>
      %swap3A_180 = arith.constant 32 : index
      %swap3A_181 = tpu.vector_load %arg16[%swap3A_180] {strides = array<i32>} : memref<64xi32, #tpu.memory_space<vmem>>, vector<16xi32>,
      tpu.vector_store %arg16[%swap3A_180], %shift_right_arithmetic3A_179 {strides = array<i32>} : memref<64xi32, #tpu.memory_space<vmem>>, vector<16xi32>,
      %and3A_182 = arith.constant 1 : i32
      %and3A_183 = vector.broadcast %and3A_182 : i32 to vector<16xi32>
      %and3A_184 = arith.andi %get3A_176, %and3A_183 : vector<16xi32>
      %swap3A_185 = arith.constant 32 : index
      %swap3A_186 = tpu.vector_load %arg20[%swap3A_185] {strides = array<i32>} : memref<64xi32, #tpu.memory_space<vmem>>, vector<16xi32>,
      tpu.vector_store %arg20[%swap3A_185], %and3A_184 {strides = array<i32>} : memref<64xi32, #tpu.memory_space<vmem>>, vector<16xi32>,
      %get3A_187 = arith.constant 48 : index
      %get3A_188 = tpu.vector_load %arg12[%get3A_187] {strides = array<i32>} : memref<64xi32, #tpu.memory_space<vmem>>, vector<16xi32>,
      %shift_right_arithmetic3A_189 = arith.constant 1 : i32
      %shift_right_arithmetic3A_190 = vector.broadcast %shift_right_arithmetic3A_189 : i32 to vector<16xi32>
      %shift_right_arithmetic3A_191 = arith.shrsi %get3A_188, %shift_right_arithmetic3A_190 : vector<16xi32>
      %swap3A_192 = arith.constant 48 : index
      %swap3A_193 = tpu.vector_load %arg16[%swap3A_192] {strides = array<i32>} : memref<64xi32, #tpu.memory_space<vmem>>, vector<16xi32>,
      tpu.vector_store %arg16[%swap3A_192], %shift_right_arithmetic3A_191 {strides = array<i32>} : memref<64xi32, #tpu.memory_space<vmem>>, vector<16xi32>,
      %and3A_194 = arith.constant 1 : i32
      %and3A_195 = vector.broadcast %and3A_194 : i32 to vector<16xi32>
      %and3A_196 = arith.andi %get3A_188, %and3A_195 : vector<16xi32>
      %swap3A_197 = arith.constant 48 : index
      %swap3A_198 = tpu.vector_load %arg20[%swap3A_197] {strides = array<i32>} : memref<64xi32, #tpu.memory_space<vmem>>, vector<16xi32>,
      tpu.vector_store %arg20[%swap3A_197], %and3A_196 {strides = array<i32>} : memref<64xi32, #tpu.memory_space<vmem>>, vector<16xi32>,
      %get3A_199 = arith.constant 0 : index
      %get3A_200 = tpu.vector_load %arg13[%get3A_199] {strides = array<i32>} : memref<64xi32, #tpu.memory_space<vmem>>, vector<16xi32>,
      %shift_right_arithmetic3A_201 = arith.constant 1 : i32
      %shift_right_arithmetic3A_202 = vector.broadcast %shift_right_arithmetic3A_201 : i32 to vector<16xi32>
      %shift_right_arithmetic3A_203 = arith.shrsi %get3A_200, %shift_right_arithmetic3A_202 : vector<16xi32>
      %swap3A_204 = arith.constant 0 : index
      %swap3A_205 = tpu.vector_load %arg17[%swap3A_204] {strides = array<i32>} : memref<64xi32, #tpu.memory_space<vmem>>, vector<16xi32>,
      tpu.vector_store %arg17[%swap3A_204], %shift_right_arithmetic3A_203 {strides = array<i32>} : memref<64xi32, #tpu.memory_space<vmem>>, vector<16xi32>,
      %and3A_206 = arith.constant 1 : i32
      %and3A_207 = vector.broadcast %and3A_206 : i32 to vector<16xi32>
      %and3A_208 = arith.andi %get3A_200, %and3A_207 : vector<16xi32>
      %swap3A_209 = arith.constant 0 : index
      %swap3A_210 = tpu.vector_load %arg21[%swap3A_209] {strides = array<i32>} : memref<64xi32, #tpu.memory_space<vmem>>, vector<16xi32>,
      tpu.vector_store %arg21[%swap3A_209], %and3A_208 {strides = array<i32>} : memref<64xi32, #tpu.memory_space<vmem>>, vector<16xi32>,
      %get3A_211 = arith.constant 16 : index
      %get3A_212 = tpu.vector_load %arg13[%get3A_211] {strides = array<i32>} : memref<64xi32, #tpu.memory_space<vmem>>, vector<16xi32>,
      %shift_right_arithmetic3A_213 = arith.constant 1 : i32
      %shift_right_arithmetic3A_214 = vector.broadcast %shift_right_arithmetic3A_213 : i32 to vector<16xi32>
      %shift_right_arithmetic3A_215 = arith.shrsi %get3A_212, %shift_right_arithmetic3A_214 : vector<16xi32>
      %swap3A_216 = arith.constant 16 : index
      %swap3A_217 = tpu.vector_load %arg17[%swap3A_216] {strides = array<i32>} : memref<64xi32, #tpu.memory_space<vmem>>, vector<16xi32>,
      tpu.vector_store %arg17[%swap3A_216], %shift_right_arithmetic3A_215 {strides = array<i32>} : memref<64xi32, #tpu.memory_space<vmem>>, vector<16xi32>,
      %and3A_218 = arith.constant 1 : i32
      %and3A_219 = vector.broadcast %and3A_218 : i32 to vector<16xi32>
      %and3A_220 = arith.andi %get3A_212, %and3A_219 : vector<16xi32>
      %swap3A_221 = arith.constant 16 : index
      %swap3A_222 = tpu.vector_load %arg21[%swap3A_221] {strides = array<i32>} : memref<64xi32, #tpu.memory_space<vmem>>, vector<16xi32>,
      tpu.vector_store %arg21[%swap3A_221], %and3A_220 {strides = array<i32>} : memref<64xi32, #tpu.memory_space<vmem>>, vector<16xi32>,
      %get3A_223 = arith.constant 32 : index
      %get3A_224 = tpu.vector_load %arg13[%get3A_223] {strides = array<i32>} : memref<64xi32, #tpu.memory_space<vmem>>, vector<16xi32>,
      %shift_right_arithmetic3A_225 = arith.constant 1 : i32
      %shift_right_arithmetic3A_226 = vector.broadcast %shift_right_arithmetic3A_225 : i32 to vector<16xi32>
      %shift_right_arithmetic3A_227 = arith.shrsi %get3A_224, %shift_right_arithmetic3A_226 : vector<16xi32>
      %swap3A_228 = arith.constant 32 : index
      %swap3A_229 = tpu.vector_load %arg17[%swap3A_228] {strides = array<i32>} : memref<64xi32, #tpu.memory_space<vmem>>, vector<16xi32>,
      tpu.vector_store %arg17[%swap3A_228], %shift_right_arithmetic3A_227 {strides = array<i32>} : memref<64xi32, #tpu.memory_space<vmem>>, vector<16xi32>,
      %and3A_230 = arith.constant 1 : i32
      %and3A_231 = vector.broadcast %and3A_230 : i32 to vector<16xi32>
      %and3A_232 = arith.andi %get3A_224, %and3A_231 : vector<16xi32>
      %swap3A_233 = arith.constant 32 : index
      %swap3A_234 = tpu.vector_load %arg21[%swap3A_233] {strides = array<i32>} : memref<64xi32, #tpu.memory_space<vmem>>, vector<16xi32>,
      tpu.vector_store %arg21[%swap3A_233], %and3A_232 {strides = array<i32>} : memref<64xi32, #tpu.memory_space<vmem>>, vector<16xi32>,
      %get3A_235 = arith.constant 48 : index
      %get3A_236 = tpu.vector_load %arg13[%get3A_235] {strides = array<i32>} : memref<64xi32, #tpu.memory_space<vmem>>, vector<16xi32>,
      %shift_right_arithmetic3A_237 = arith.constant 1 : i32
      %shift_right_arithmetic3A_238 = vector.broadcast %shift_right_arithmetic3A_237 : i32 to vector<16xi32>
      %shift_right_arithmetic3A_239 = arith.shrsi %get3A_236, %shift_right_arithmetic3A_238 : vector<16xi32>
      %swap3A_240 = arith.constant 48 : index
      %swap3A_241 = tpu.vector_load %arg17[%swap3A_240] {strides = array<i32>} : memref<64xi32, #tpu.memory_space<vmem>>, vector<16xi32>,
      tpu.vector_store %arg17[%swap3A_240], %shift_right_arithmetic3A_239 {strides = array<i32>} : memref<64xi32, #tpu.memory_space<vmem>>, vector<16xi32>,
      %and3A_242 = arith.constant 1 : i32
      %and3A_243 = vector.broadcast %and3A_242 : i32 to vector<16xi32>
      %and3A_244 = arith.andi %get3A_236, %and3A_243 : vector<16xi32>
      %swap3A_245 = arith.constant 48 : index
      %swap3A_246 = tpu.vector_load %arg21[%swap3A_245] {strides = array<i32>} : memref<64xi32, #tpu.memory_space<vmem>>, vector<16xi32>,
      tpu.vector_store %arg21[%swap3A_245], %and3A_244 {strides = array<i32>} : memref<64xi32, #tpu.memory_space<vmem>>, vector<16xi32>,
      %get3A_247 = arith.constant 0 : index
      %get3A_248 = tpu.vector_load %arg14[%get3A_247] {strides = array<i32>} : memref<64xi32, #tpu.memory_space<vmem>>, vector<16xi32>,
      %shift_right_arithmetic3A_249 = arith.constant 1 : i32
      %shift_right_arithmetic3A_250 = vector.broadcast %shift_right_arithmetic3A_249 : i32 to vector<16xi32>
      %shift_right_arithmetic3A_251 = arith.shrsi %get3A_248, %shift_right_arithmetic3A_250 : vector<16xi32>
      %swap3A_252 = arith.constant 0 : index
      %swap3A_253 = tpu.vector_load %arg18[%swap3A_252] {strides = array<i32>} : memref<64xi32, #tpu.memory_space<vmem>>, vector<16xi32>,
      tpu.vector_store %arg18[%swap3A_252], %shift_right_arithmetic3A_251 {strides = array<i32>} : memref<64xi32, #tpu.memory_space<vmem>>, vector<16xi32>,
      %and3A_254 = arith.constant 1 : i32
      %and3A_255 = vector.broadcast %and3A_254 : i32 to vector<16xi32>
      %and3A_256 = arith.andi %get3A_248, %and3A_255 : vector<16xi32>
      %swap3A_257 = arith.constant 0 : index
      %swap3A_258 = tpu.vector_load %arg22[%swap3A_257] {strides = array<i32>} : memref<64xi32, #tpu.memory_space<vmem>>, vector<16xi32>,
      tpu.vector_store %arg22[%swap3A_257], %and3A_256 {strides = array<i32>} : memref<64xi32, #tpu.memory_space<vmem>>, vector<16xi32>,
      %get3A_259 = arith.constant 16 : index
      %get3A_260 = tpu.vector_load %arg14[%get3A_259] {strides = array<i32>} : memref<64xi32, #tpu.memory_space<vmem>>, vector<16xi32>,
      %shift_right_arithmetic3A_261 = arith.constant 1 : i32
      %shift_right_arithmetic3A_262 = vector.broadcast %shift_right_arithmetic3A_261 : i32 to vector<16xi32>
      %shift_right_arithmetic3A_263 = arith.shrsi %get3A_260, %shift_right_arithmetic3A_262 : vector<16xi32>
      %swap3A_264 = arith.constant 16 : index
      %swap3A_265 = tpu.vector_load %arg18[%swap3A_264] {strides = array<i32>} : memref<64xi32, #tpu.memory_space<vmem>>, vector<16xi32>,
      tpu.vector_store %arg18[%swap3A_264], %shift_right_arithmetic3A_263 {strides = array<i32>} : memref<64xi32, #tpu.memory_space<vmem>>, vector<16xi32>,
      %and3A_266 = arith.constant 1 : i32
      %and3A_267 = vector.broadcast %and3A_266 : i32 to vector<16xi32>
      %and3A_268 = arith.andi %get3A_260, %and3A_267 : vector<16xi32>
      %swap3A_269 = arith.constant 16 : index
      %swap3A_270 = tpu.vector_load %arg22[%swap3A_269] {strides = array<i32>} : memref<64xi32, #tpu.memory_space<vmem>>, vector<16xi32>,
      tpu.vector_store %arg22[%swap3A_269], %and3A_268 {strides = array<i32>} : memref<64xi32, #tpu.memory_space<vmem>>, vector<16xi32>,
      %get3A_271 = arith.constant 32 : index
      %get3A_272 = tpu.vector_load %arg14[%get3A_271] {strides = array<i32>} : memref<64xi32, #tpu.memory_space<vmem>>, vector<16xi32>,
      %shift_right_arithmetic3A_273 = arith.constant 1 : i32
      %shift_right_arithmetic3A_274 = vector.broadcast %shift_right_arithmetic3A_273 : i32 to vector<16xi32>
      %shift_right_arithmetic3A_275 = arith.shrsi %get3A_272, %shift_right_arithmetic3A_274 : vector<16xi32>
      %swap3A_276 = arith.constant 32 : index
      %swap3A_277 = tpu.vector_load %arg18[%swap3A_276] {strides = array<i32>} : memref<64xi32, #tpu.memory_space<vmem>>, vector<16xi32>,
      tpu.vector_store %arg18[%swap3A_276], %shift_right_arithmetic3A_275 {strides = array<i32>} : memref<64xi32, #tpu.memory_space<vmem>>, vector<16xi32>,
      %and3A_278 = arith.constant 1 : i32
      %and3A_279 = vector.broadcast %and3A_278 : i32 to vector<16xi32>
      %and3A_280 = arith.andi %get3A_272, %and3A_279 : vector<16xi32>
      %swap3A_281 = arith.constant 32 : index
      %swap3A_282 = tpu.vector_load %arg22[%swap3A_281] {strides = array<i32>} : memref<64xi32, #tpu.memory_space<vmem>>, vector<16xi32>,
      tpu.vector_store %arg22[%swap3A_281], %and3A_280 {strides = array<i32>} : memref<64xi32, #tpu.memory_space<vmem>>, vector<16xi32>,
      %get3A_283 = arith.constant 48 : index
      %get3A_284 = tpu.vector_load %arg14[%get3A_283] {strides = array<i32>} : memref<64xi32, #tpu.memory_space<vmem>>, vector<16xi32>,
      %shift_right_arithmetic3A_285 = arith.constant 1 : i32
      %shift_right_arithmetic3A_286 = vector.broadcast %shift_right_arithmetic3A_285 : i32 to vector<16xi32>
      %shift_right_arithmetic3A_287 = arith.shrsi %get3A_284, %shift_right_arithmetic3A_286 : vector<16xi32>
      %swap3A_288 = arith.constant 48 : index
      %swap3A_289 = tpu.vector_load %arg18[%swap3A_288] {strides = array<i32>} : memref<64xi32, #tpu.memory_space<vmem>>, vector<16xi32>,
      tpu.vector_store %arg18[%swap3A_288], %shift_right_arithmetic3A_287 {strides = array<i32>} : memref<64xi32, #tpu.memory_space<vmem>>, vector<16xi32>,
      %and3A_290 = arith.constant 1 : i32
      %and3A_291 = vector.broadcast %and3A_290 : i32 to vector<16xi32>
      %and3A_292 = arith.andi %get3A_284, %and3A_291 : vector<16xi32>
      %swap3A_293 = arith.constant 48 : index
      %swap3A_294 = tpu.vector_load %arg22[%swap3A_293] {strides = array<i32>} : memref<64xi32, #tpu.memory_space<vmem>>, vector<16xi32>,
      tpu.vector_store %arg22[%swap3A_293], %and3A_292 {strides = array<i32>} : memref<64xi32, #tpu.memory_space<vmem>>, vector<16xi32>,
      %add3A_295 = arith.constant 2 : i32
      %add3A_296 = arith.addi %mul3A_86, %add3A_295 : i32
      %lt3A = arith.constant 128 : i32
      %lt3A_297 = arith.cmpi slt, %add3A_296, %lt3A : i32
      %convert_element_type3A = arith.extui %lt3A_297 : i1 to i32
      %cond3A = arith.constant 0 : i32
      %cond3A_298 = arith.cmpi ne, %convert_element_type3A, %cond3A : i32
      scf.if %cond3A_298 {
        %add3A_636 = arith.addi %mul3A_2, %add3A_296 : i32
        %mul3A_637 = arith.constant 64 : i32
        %mul3A_638 = arith.muli %add3A_636, %mul3A_637 : i32
        %dma_start3A_639 = tpu.memref_slice %arg2[%mul3A_638] : memref<262144xi32, #tpu.memory_space<hbm>> -> memref<64xi32, #tpu.memory_space<hbm>>
        %dma_start3A_640 = tpu.memref_slice %arg2[%mul3A_638] : memref<262144xi32, #tpu.memory_space<hbm>> -> memref<64xi32, #tpu.memory_space<hbm>>
        tpu.enqueue_dma source(%dma_start3A_640 : memref<64xi32, #tpu.memory_space<hbm>>) target(%arg11 : memref<64xi32, #tpu.memory_space<vmem>>) target_semaphore(%arg45 : memref<!tpu.dma_semaphore, #tpu.memory_space<semaphore_mem>>)
        %add3A_641 = arith.addi %mul3A_2, %add3A_296 : i32
        %mul3A_642 = arith.constant 64 : i32
        %mul3A_643 = arith.muli %add3A_641, %mul3A_642 : i32
        %dma_start3A_644 = tpu.memref_slice %arg3[%mul3A_643] : memref<262144xi32, #tpu.memory_space<hbm>> -> memref<64xi32, #tpu.memory_space<hbm>>
        %dma_start3A_645 = tpu.memref_slice %arg3[%mul3A_643] : memref<262144xi32, #tpu.memory_space<hbm>> -> memref<64xi32, #tpu.memory_space<hbm>>
        tpu.enqueue_dma source(%dma_start3A_645 : memref<64xi32, #tpu.memory_space<hbm>>) target(%arg12 : memref<64xi32, #tpu.memory_space<vmem>>) target_semaphore(%arg45 : memref<!tpu.dma_semaphore, #tpu.memory_space<semaphore_mem>>)
        %add3A_646 = arith.addi %mul3A_2, %add3A_296 : i32
        %mul3A_647 = arith.constant 64 : i32
        %mul3A_648 = arith.muli %add3A_646, %mul3A_647 : i32
        %dma_start3A_649 = tpu.memref_slice %arg4[%mul3A_648] : memref<262144xi32, #tpu.memory_space<hbm>> -> memref<64xi32, #tpu.memory_space<hbm>>
        %dma_start3A_650 = tpu.memref_slice %arg4[%mul3A_648] : memref<262144xi32, #tpu.memory_space<hbm>> -> memref<64xi32, #tpu.memory_space<hbm>>
        tpu.enqueue_dma source(%dma_start3A_650 : memref<64xi32, #tpu.memory_space<hbm>>) target(%arg13 : memref<64xi32, #tpu.memory_space<vmem>>) target_semaphore(%arg45 : memref<!tpu.dma_semaphore, #tpu.memory_space<semaphore_mem>>)
        %add3A_651 = arith.addi %mul3A_2, %add3A_296 : i32
        %mul3A_652 = arith.constant 64 : i32
        %mul3A_653 = arith.muli %add3A_651, %mul3A_652 : i32
        %dma_start3A_654 = tpu.memref_slice %arg5[%mul3A_653] : memref<262144xi32, #tpu.memory_space<hbm>> -> memref<64xi32, #tpu.memory_space<hbm>>
        %dma_start3A_655 = tpu.memref_slice %arg5[%mul3A_653] : memref<262144xi32, #tpu.memory_space<hbm>> -> memref<64xi32, #tpu.memory_space<hbm>>
        tpu.enqueue_dma source(%dma_start3A_655 : memref<64xi32, #tpu.memory_space<hbm>>) target(%arg14 : memref<64xi32, #tpu.memory_space<vmem>>) target_semaphore(%arg45 : memref<!tpu.dma_semaphore, #tpu.memory_space<semaphore_mem>>)
      } else {
      }
      %dma_start3A_299 = arith.constant 0 : i32
      %dma_start3A_300 = tpu.memref_slice %arg15[%dma_start3A_299] : memref<64xi32, #tpu.memory_space<vmem>> -> memref<50xi32, #tpu.memory_space<vmem>>
      %dma_start3A_301 = arith.constant 0 : i32
      %dma_start3A_302 = arith.constant 0 : i32
      %dma_start3A_303 = tpu.memref_slice %arg6[%dma_start3A_301, %dma_start3A_302] : memref<500000x128xf32, #tpu.memory_space<hbm>> -> memref<500000x128xf32, #tpu.memory_space<hbm>>
      tpu.enqueue_indirect_dma source(%dma_start3A_303 : memref<500000x128xf32, #tpu.memory_space<hbm>>) target(%arg23 : memref<50x128xf32, #tpu.memory_space<vmem>>) offsets(%dma_start3A_300 : memref<50xi32, #tpu.memory_space<vmem>>) semaphore(%arg47 : memref<!tpu.dma_semaphore, #tpu.memory_space<semaphore_mem>>)
      %dma_start3A_304 = arith.constant 0 : i32
      %dma_start3A_305 = tpu.memref_slice %arg16[%dma_start3A_304] : memref<64xi32, #tpu.memory_space<vmem>> -> memref<50xi32, #tpu.memory_space<vmem>>
      %dma_start3A_306 = arith.constant 0 : i32
      %dma_start3A_307 = arith.constant 0 : i32
      %dma_start3A_308 = tpu.memref_slice %arg7[%dma_start3A_306, %dma_start3A_307] : memref<50000x128xf32, #tpu.memory_space<hbm>> -> memref<50000x128xf32, #tpu.memory_space<hbm>>
      tpu.enqueue_indirect_dma source(%dma_start3A_308 : memref<50000x128xf32, #tpu.memory_space<hbm>>) target(%arg24 : memref<50x128xf32, #tpu.memory_space<vmem>>) offsets(%dma_start3A_305 : memref<50xi32, #tpu.memory_space<vmem>>) semaphore(%arg47 : memref<!tpu.dma_semaphore, #tpu.memory_space<semaphore_mem>>)
      %dma_start3A_309 = arith.constant 0 : i32
      %dma_start3A_310 = tpu.memref_slice %arg17[%dma_start3A_309] : memref<64xi32, #tpu.memory_space<vmem>> -> memref<50xi32, #tpu.memory_space<vmem>>
      %dma_start3A_311 = arith.constant 0 : i32
      %dma_start3A_312 = arith.constant 0 : i32
      %dma_start3A_313 = tpu.memref_slice %arg8[%dma_start3A_311, %dma_start3A_312] : memref<500x128xf32, #tpu.memory_space<hbm>> -> memref<500x128xf32, #tpu.memory_space<hbm>>
      tpu.enqueue_indirect_dma source(%dma_start3A_313 : memref<500x128xf32, #tpu.memory_space<hbm>>) target(%arg25 : memref<50x128xf32, #tpu.memory_space<vmem>>) offsets(%dma_start3A_310 : memref<50xi32, #tpu.memory_space<vmem>>) semaphore(%arg47 : memref<!tpu.dma_semaphore, #tpu.memory_space<semaphore_mem>>)
      %dma_start3A_314 = arith.constant 0 : i32
      %dma_start3A_315 = tpu.memref_slice %arg18[%dma_start3A_314] : memref<64xi32, #tpu.memory_space<vmem>> -> memref<50xi32, #tpu.memory_space<vmem>>
      %dma_start3A_316 = arith.constant 0 : i32
      %dma_start3A_317 = arith.constant 0 : i32
      %dma_start3A_318 = tpu.memref_slice %arg9[%dma_start3A_316, %dma_start3A_317] : memref<500x128xf32, #tpu.memory_space<hbm>> -> memref<500x128xf32, #tpu.memory_space<hbm>>
      tpu.enqueue_indirect_dma source(%dma_start3A_318 : memref<500x128xf32, #tpu.memory_space<hbm>>) target(%arg26 : memref<50x128xf32, #tpu.memory_space<vmem>>) offsets(%dma_start3A_315 : memref<50xi32, #tpu.memory_space<vmem>>) semaphore(%arg47 : memref<!tpu.dma_semaphore, #tpu.memory_space<semaphore_mem>>)
      %mul3A_319 = arith.constant 64 : i32
      %mul3A_320 = arith.muli %mul3A_2, %mul3A_319 : i32
      %dma_wait3A_321 = tpu.memref_slice %arg2[%mul3A_320] : memref<262144xi32, #tpu.memory_space<hbm>> -> memref<64xi32, #tpu.memory_space<hbm>>
      %dma_wait3A_322 = tpu.memref_slice %arg2[%mul3A_320] : memref<262144xi32, #tpu.memory_space<hbm>> -> memref<64xi32, #tpu.memory_space<hbm>>
      tpu.wait_dma2 semaphore(%arg46 : memref<!tpu.dma_semaphore, #tpu.memory_space<semaphore_mem>>) src(%dma_wait3A_322 : memref<64xi32, #tpu.memory_space<hbm>>) dst(%arg28 : memref<64xi32, #tpu.memory_space<vmem>>)
      %mul3A_323 = arith.constant 64 : i32
      %mul3A_324 = arith.muli %mul3A_2, %mul3A_323 : i32
      %dma_wait3A_325 = tpu.memref_slice %arg3[%mul3A_324] : memref<262144xi32, #tpu.memory_space<hbm>> -> memref<64xi32, #tpu.memory_space<hbm>>
      %dma_wait3A_326 = tpu.memref_slice %arg3[%mul3A_324] : memref<262144xi32, #tpu.memory_space<hbm>> -> memref<64xi32, #tpu.memory_space<hbm>>
      tpu.wait_dma2 semaphore(%arg46 : memref<!tpu.dma_semaphore, #tpu.memory_space<semaphore_mem>>) src(%dma_wait3A_326 : memref<64xi32, #tpu.memory_space<hbm>>) dst(%arg29 : memref<64xi32, #tpu.memory_space<vmem>>)
      %mul3A_327 = arith.constant 64 : i32
      %mul3A_328 = arith.muli %mul3A_2, %mul3A_327 : i32
      %dma_wait3A_329 = tpu.memref_slice %arg4[%mul3A_328] : memref<262144xi32, #tpu.memory_space<hbm>> -> memref<64xi32, #tpu.memory_space<hbm>>
      %dma_wait3A_330 = tpu.memref_slice %arg4[%mul3A_328] : memref<262144xi32, #tpu.memory_space<hbm>> -> memref<64xi32, #tpu.memory_space<hbm>>
      tpu.wait_dma2 semaphore(%arg46 : memref<!tpu.dma_semaphore, #tpu.memory_space<semaphore_mem>>) src(%dma_wait3A_330 : memref<64xi32, #tpu.memory_space<hbm>>) dst(%arg30 : memref<64xi32, #tpu.memory_space<vmem>>)
      %mul3A_331 = arith.constant 64 : i32
      %mul3A_332 = arith.muli %mul3A_2, %mul3A_331 : i32
      %dma_wait3A_333 = tpu.memref_slice %arg5[%mul3A_332] : memref<262144xi32, #tpu.memory_space<hbm>> -> memref<64xi32, #tpu.memory_space<hbm>>
      %dma_wait3A_334 = tpu.memref_slice %arg5[%mul3A_332] : memref<262144xi32, #tpu.memory_space<hbm>> -> memref<64xi32, #tpu.memory_space<hbm>>
      tpu.wait_dma2 semaphore(%arg46 : memref<!tpu.dma_semaphore, #tpu.memory_space<semaphore_mem>>) src(%dma_wait3A_334 : memref<64xi32, #tpu.memory_space<hbm>>) dst(%arg31 : memref<64xi32, #tpu.memory_space<vmem>>)
      %get3A_335 = arith.constant 0 : index
      %get3A_336 = tpu.vector_load %arg28[%get3A_335] {strides = array<i32>} : memref<64xi32, #tpu.memory_space<vmem>>, vector<16xi32>,
      %shift_right_arithmetic3A_337 = arith.constant 1 : i32
      %shift_right_arithmetic3A_338 = vector.broadcast %shift_right_arithmetic3A_337 : i32 to vector<16xi32>
      %shift_right_arithmetic3A_339 = arith.shrsi %get3A_336, %shift_right_arithmetic3A_338 : vector<16xi32>
      %swap3A_340 = arith.constant 0 : index
      %swap3A_341 = tpu.vector_load %arg32[%swap3A_340] {strides = array<i32>} : memref<64xi32, #tpu.memory_space<vmem>>, vector<16xi32>,
      tpu.vector_store %arg32[%swap3A_340], %shift_right_arithmetic3A_339 {strides = array<i32>} : memref<64xi32, #tpu.memory_space<vmem>>, vector<16xi32>,
      %and3A_342 = arith.constant 1 : i32
      %and3A_343 = vector.broadcast %and3A_342 : i32 to vector<16xi32>
      %and3A_344 = arith.andi %get3A_336, %and3A_343 : vector<16xi32>
      %swap3A_345 = arith.constant 0 : index
      %swap3A_346 = tpu.vector_load %arg36[%swap3A_345] {strides = array<i32>} : memref<64xi32, #tpu.memory_space<vmem>>, vector<16xi32>,
      tpu.vector_store %arg36[%swap3A_345], %and3A_344 {strides = array<i32>} : memref<64xi32, #tpu.memory_space<vmem>>, vector<16xi32>,
      %get3A_347 = arith.constant 16 : index
      %get3A_348 = tpu.vector_load %arg28[%get3A_347] {strides = array<i32>} : memref<64xi32, #tpu.memory_space<vmem>>, vector<16xi32>,
      %shift_right_arithmetic3A_349 = arith.constant 1 : i32
      %shift_right_arithmetic3A_350 = vector.broadcast %shift_right_arithmetic3A_349 : i32 to vector<16xi32>
      %shift_right_arithmetic3A_351 = arith.shrsi %get3A_348, %shift_right_arithmetic3A_350 : vector<16xi32>
      %swap3A_352 = arith.constant 16 : index
      %swap3A_353 = tpu.vector_load %arg32[%swap3A_352] {strides = array<i32>} : memref<64xi32, #tpu.memory_space<vmem>>, vector<16xi32>,
      tpu.vector_store %arg32[%swap3A_352], %shift_right_arithmetic3A_351 {strides = array<i32>} : memref<64xi32, #tpu.memory_space<vmem>>, vector<16xi32>,
      %and3A_354 = arith.constant 1 : i32
      %and3A_355 = vector.broadcast %and3A_354 : i32 to vector<16xi32>
      %and3A_356 = arith.andi %get3A_348, %and3A_355 : vector<16xi32>
      %swap3A_357 = arith.constant 16 : index
      %swap3A_358 = tpu.vector_load %arg36[%swap3A_357] {strides = array<i32>} : memref<64xi32, #tpu.memory_space<vmem>>, vector<16xi32>,
      tpu.vector_store %arg36[%swap3A_357], %and3A_356 {strides = array<i32>} : memref<64xi32, #tpu.memory_space<vmem>>, vector<16xi32>,
      %get3A_359 = arith.constant 32 : index
      %get3A_360 = tpu.vector_load %arg28[%get3A_359] {strides = array<i32>} : memref<64xi32, #tpu.memory_space<vmem>>, vector<16xi32>,
      %shift_right_arithmetic3A_361 = arith.constant 1 : i32
      %shift_right_arithmetic3A_362 = vector.broadcast %shift_right_arithmetic3A_361 : i32 to vector<16xi32>
      %shift_right_arithmetic3A_363 = arith.shrsi %get3A_360, %shift_right_arithmetic3A_362 : vector<16xi32>
      %swap3A_364 = arith.constant 32 : index
      %swap3A_365 = tpu.vector_load %arg32[%swap3A_364] {strides = array<i32>} : memref<64xi32, #tpu.memory_space<vmem>>, vector<16xi32>,
      tpu.vector_store %arg32[%swap3A_364], %shift_right_arithmetic3A_363 {strides = array<i32>} : memref<64xi32, #tpu.memory_space<vmem>>, vector<16xi32>,
      %and3A_366 = arith.constant 1 : i32
      %and3A_367 = vector.broadcast %and3A_366 : i32 to vector<16xi32>
      %and3A_368 = arith.andi %get3A_360, %and3A_367 : vector<16xi32>
      %swap3A_369 = arith.constant 32 : index
      %swap3A_370 = tpu.vector_load %arg36[%swap3A_369] {strides = array<i32>} : memref<64xi32, #tpu.memory_space<vmem>>, vector<16xi32>,
      tpu.vector_store %arg36[%swap3A_369], %and3A_368 {strides = array<i32>} : memref<64xi32, #tpu.memory_space<vmem>>, vector<16xi32>,
      %get3A_371 = arith.constant 48 : index
      %get3A_372 = tpu.vector_load %arg28[%get3A_371] {strides = array<i32>} : memref<64xi32, #tpu.memory_space<vmem>>, vector<16xi32>,
      %shift_right_arithmetic3A_373 = arith.constant 1 : i32
      %shift_right_arithmetic3A_374 = vector.broadcast %shift_right_arithmetic3A_373 : i32 to vector<16xi32>
      %shift_right_arithmetic3A_375 = arith.shrsi %get3A_372, %shift_right_arithmetic3A_374 : vector<16xi32>
      %swap3A_376 = arith.constant 48 : index
      %swap3A_377 = tpu.vector_load %arg32[%swap3A_376] {strides = array<i32>} : memref<64xi32, #tpu.memory_space<vmem>>, vector<16xi32>,
      tpu.vector_store %arg32[%swap3A_376], %shift_right_arithmetic3A_375 {strides = array<i32>} : memref<64xi32, #tpu.memory_space<vmem>>, vector<16xi32>,
      %and3A_378 = arith.constant 1 : i32
      %and3A_379 = vector.broadcast %and3A_378 : i32 to vector<16xi32>
      %and3A_380 = arith.andi %get3A_372, %and3A_379 : vector<16xi32>
      %swap3A_381 = arith.constant 48 : index
      %swap3A_382 = tpu.vector_load %arg36[%swap3A_381] {strides = array<i32>} : memref<64xi32, #tpu.memory_space<vmem>>, vector<16xi32>,
      tpu.vector_store %arg36[%swap3A_381], %and3A_380 {strides = array<i32>} : memref<64xi32, #tpu.memory_space<vmem>>, vector<16xi32>,
      %get3A_383 = arith.constant 0 : index
      %get3A_384 = tpu.vector_load %arg29[%get3A_383] {strides = array<i32>} : memref<64xi32, #tpu.memory_space<vmem>>, vector<16xi32>,
      %shift_right_arithmetic3A_385 = arith.constant 1 : i32
      %shift_right_arithmetic3A_386 = vector.broadcast %shift_right_arithmetic3A_385 : i32 to vector<16xi32>
      %shift_right_arithmetic3A_387 = arith.shrsi %get3A_384, %shift_right_arithmetic3A_386 : vector<16xi32>
      %swap3A_388 = arith.constant 0 : index
      %swap3A_389 = tpu.vector_load %arg33[%swap3A_388] {strides = array<i32>} : memref<64xi32, #tpu.memory_space<vmem>>, vector<16xi32>,
      tpu.vector_store %arg33[%swap3A_388], %shift_right_arithmetic3A_387 {strides = array<i32>} : memref<64xi32, #tpu.memory_space<vmem>>, vector<16xi32>,
      %and3A_390 = arith.constant 1 : i32
      %and3A_391 = vector.broadcast %and3A_390 : i32 to vector<16xi32>
      %and3A_392 = arith.andi %get3A_384, %and3A_391 : vector<16xi32>
      %swap3A_393 = arith.constant 0 : index
      %swap3A_394 = tpu.vector_load %arg37[%swap3A_393] {strides = array<i32>} : memref<64xi32, #tpu.memory_space<vmem>>, vector<16xi32>,
      tpu.vector_store %arg37[%swap3A_393], %and3A_392 {strides = array<i32>} : memref<64xi32, #tpu.memory_space<vmem>>, vector<16xi32>,
      %get3A_395 = arith.constant 16 : index
      %get3A_396 = tpu.vector_load %arg29[%get3A_395] {strides = array<i32>} : memref<64xi32, #tpu.memory_space<vmem>>, vector<16xi32>,
      %shift_right_arithmetic3A_397 = arith.constant 1 : i32
      %shift_right_arithmetic3A_398 = vector.broadcast %shift_right_arithmetic3A_397 : i32 to vector<16xi32>
      %shift_right_arithmetic3A_399 = arith.shrsi %get3A_396, %shift_right_arithmetic3A_398 : vector<16xi32>
      %swap3A_400 = arith.constant 16 : index
      %swap3A_401 = tpu.vector_load %arg33[%swap3A_400] {strides = array<i32>} : memref<64xi32, #tpu.memory_space<vmem>>, vector<16xi32>,
      tpu.vector_store %arg33[%swap3A_400], %shift_right_arithmetic3A_399 {strides = array<i32>} : memref<64xi32, #tpu.memory_space<vmem>>, vector<16xi32>,
      %and3A_402 = arith.constant 1 : i32
      %and3A_403 = vector.broadcast %and3A_402 : i32 to vector<16xi32>
      %and3A_404 = arith.andi %get3A_396, %and3A_403 : vector<16xi32>
      %swap3A_405 = arith.constant 16 : index
      %swap3A_406 = tpu.vector_load %arg37[%swap3A_405] {strides = array<i32>} : memref<64xi32, #tpu.memory_space<vmem>>, vector<16xi32>,
      tpu.vector_store %arg37[%swap3A_405], %and3A_404 {strides = array<i32>} : memref<64xi32, #tpu.memory_space<vmem>>, vector<16xi32>,
      %get3A_407 = arith.constant 32 : index
      %get3A_408 = tpu.vector_load %arg29[%get3A_407] {strides = array<i32>} : memref<64xi32, #tpu.memory_space<vmem>>, vector<16xi32>,
      %shift_right_arithmetic3A_409 = arith.constant 1 : i32
      %shift_right_arithmetic3A_410 = vector.broadcast %shift_right_arithmetic3A_409 : i32 to vector<16xi32>
      %shift_right_arithmetic3A_411 = arith.shrsi %get3A_408, %shift_right_arithmetic3A_410 : vector<16xi32>
      %swap3A_412 = arith.constant 32 : index
      %swap3A_413 = tpu.vector_load %arg33[%swap3A_412] {strides = array<i32>} : memref<64xi32, #tpu.memory_space<vmem>>, vector<16xi32>,
      tpu.vector_store %arg33[%swap3A_412], %shift_right_arithmetic3A_411 {strides = array<i32>} : memref<64xi32, #tpu.memory_space<vmem>>, vector<16xi32>,
      %and3A_414 = arith.constant 1 : i32
      %and3A_415 = vector.broadcast %and3A_414 : i32 to vector<16xi32>
      %and3A_416 = arith.andi %get3A_408, %and3A_415 : vector<16xi32>
      %swap3A_417 = arith.constant 32 : index
      %swap3A_418 = tpu.vector_load %arg37[%swap3A_417] {strides = array<i32>} : memref<64xi32, #tpu.memory_space<vmem>>, vector<16xi32>,
      tpu.vector_store %arg37[%swap3A_417], %and3A_416 {strides = array<i32>} : memref<64xi32, #tpu.memory_space<vmem>>, vector<16xi32>,
      %get3A_419 = arith.constant 48 : index
      %get3A_420 = tpu.vector_load %arg29[%get3A_419] {strides = array<i32>} : memref<64xi32, #tpu.memory_space<vmem>>, vector<16xi32>,
      %shift_right_arithmetic3A_421 = arith.constant 1 : i32
      %shift_right_arithmetic3A_422 = vector.broadcast %shift_right_arithmetic3A_421 : i32 to vector<16xi32>
      %shift_right_arithmetic3A_423 = arith.shrsi %get3A_420, %shift_right_arithmetic3A_422 : vector<16xi32>
      %swap3A_424 = arith.constant 48 : index
      %swap3A_425 = tpu.vector_load %arg33[%swap3A_424] {strides = array<i32>} : memref<64xi32, #tpu.memory_space<vmem>>, vector<16xi32>,
      tpu.vector_store %arg33[%swap3A_424], %shift_right_arithmetic3A_423 {strides = array<i32>} : memref<64xi32, #tpu.memory_space<vmem>>, vector<16xi32>,
      %and3A_426 = arith.constant 1 : i32
      %and3A_427 = vector.broadcast %and3A_426 : i32 to vector<16xi32>
      %and3A_428 = arith.andi %get3A_420, %and3A_427 : vector<16xi32>
      %swap3A_429 = arith.constant 48 : index
      %swap3A_430 = tpu.vector_load %arg37[%swap3A_429] {strides = array<i32>} : memref<64xi32, #tpu.memory_space<vmem>>, vector<16xi32>,
      tpu.vector_store %arg37[%swap3A_429], %and3A_428 {strides = array<i32>} : memref<64xi32, #tpu.memory_space<vmem>>, vector<16xi32>,
      %get3A_431 = arith.constant 0 : index
      %get3A_432 = tpu.vector_load %arg30[%get3A_431] {strides = array<i32>} : memref<64xi32, #tpu.memory_space<vmem>>, vector<16xi32>,
      %shift_right_arithmetic3A_433 = arith.constant 1 : i32
      %shift_right_arithmetic3A_434 = vector.broadcast %shift_right_arithmetic3A_433 : i32 to vector<16xi32>
      %shift_right_arithmetic3A_435 = arith.shrsi %get3A_432, %shift_right_arithmetic3A_434 : vector<16xi32>
      %swap3A_436 = arith.constant 0 : index
      %swap3A_437 = tpu.vector_load %arg34[%swap3A_436] {strides = array<i32>} : memref<64xi32, #tpu.memory_space<vmem>>, vector<16xi32>,
      tpu.vector_store %arg34[%swap3A_436], %shift_right_arithmetic3A_435 {strides = array<i32>} : memref<64xi32, #tpu.memory_space<vmem>>, vector<16xi32>,
      %and3A_438 = arith.constant 1 : i32
      %and3A_439 = vector.broadcast %and3A_438 : i32 to vector<16xi32>
      %and3A_440 = arith.andi %get3A_432, %and3A_439 : vector<16xi32>
      %swap3A_441 = arith.constant 0 : index
      %swap3A_442 = tpu.vector_load %arg38[%swap3A_441] {strides = array<i32>} : memref<64xi32, #tpu.memory_space<vmem>>, vector<16xi32>,
      tpu.vector_store %arg38[%swap3A_441], %and3A_440 {strides = array<i32>} : memref<64xi32, #tpu.memory_space<vmem>>, vector<16xi32>,
      %get3A_443 = arith.constant 16 : index
      %get3A_444 = tpu.vector_load %arg30[%get3A_443] {strides = array<i32>} : memref<64xi32, #tpu.memory_space<vmem>>, vector<16xi32>,
      %shift_right_arithmetic3A_445 = arith.constant 1 : i32
      %shift_right_arithmetic3A_446 = vector.broadcast %shift_right_arithmetic3A_445 : i32 to vector<16xi32>
      %shift_right_arithmetic3A_447 = arith.shrsi %get3A_444, %shift_right_arithmetic3A_446 : vector<16xi32>
      %swap3A_448 = arith.constant 16 : index
      %swap3A_449 = tpu.vector_load %arg34[%swap3A_448] {strides = array<i32>} : memref<64xi32, #tpu.memory_space<vmem>>, vector<16xi32>,
      tpu.vector_store %arg34[%swap3A_448], %shift_right_arithmetic3A_447 {strides = array<i32>} : memref<64xi32, #tpu.memory_space<vmem>>, vector<16xi32>,
      %and3A_450 = arith.constant 1 : i32
      %and3A_451 = vector.broadcast %and3A_450 : i32 to vector<16xi32>
      %and3A_452 = arith.andi %get3A_444, %and3A_451 : vector<16xi32>
      %swap3A_453 = arith.constant 16 : index
      %swap3A_454 = tpu.vector_load %arg38[%swap3A_453] {strides = array<i32>} : memref<64xi32, #tpu.memory_space<vmem>>, vector<16xi32>,
      tpu.vector_store %arg38[%swap3A_453], %and3A_452 {strides = array<i32>} : memref<64xi32, #tpu.memory_space<vmem>>, vector<16xi32>,
      %get3A_455 = arith.constant 32 : index
      %get3A_456 = tpu.vector_load %arg30[%get3A_455] {strides = array<i32>} : memref<64xi32, #tpu.memory_space<vmem>>, vector<16xi32>,
      %shift_right_arithmetic3A_457 = arith.constant 1 : i32
      %shift_right_arithmetic3A_458 = vector.broadcast %shift_right_arithmetic3A_457 : i32 to vector<16xi32>
      %shift_right_arithmetic3A_459 = arith.shrsi %get3A_456, %shift_right_arithmetic3A_458 : vector<16xi32>
      %swap3A_460 = arith.constant 32 : index
      %swap3A_461 = tpu.vector_load %arg34[%swap3A_460] {strides = array<i32>} : memref<64xi32, #tpu.memory_space<vmem>>, vector<16xi32>,
      tpu.vector_store %arg34[%swap3A_460], %shift_right_arithmetic3A_459 {strides = array<i32>} : memref<64xi32, #tpu.memory_space<vmem>>, vector<16xi32>,
      %and3A_462 = arith.constant 1 : i32
      %and3A_463 = vector.broadcast %and3A_462 : i32 to vector<16xi32>
      %and3A_464 = arith.andi %get3A_456, %and3A_463 : vector<16xi32>
      %swap3A_465 = arith.constant 32 : index
      %swap3A_466 = tpu.vector_load %arg38[%swap3A_465] {strides = array<i32>} : memref<64xi32, #tpu.memory_space<vmem>>, vector<16xi32>,
      tpu.vector_store %arg38[%swap3A_465], %and3A_464 {strides = array<i32>} : memref<64xi32, #tpu.memory_space<vmem>>, vector<16xi32>,
      %get3A_467 = arith.constant 48 : index
      %get3A_468 = tpu.vector_load %arg30[%get3A_467] {strides = array<i32>} : memref<64xi32, #tpu.memory_space<vmem>>, vector<16xi32>,
      %shift_right_arithmetic3A_469 = arith.constant 1 : i32
      %shift_right_arithmetic3A_470 = vector.broadcast %shift_right_arithmetic3A_469 : i32 to vector<16xi32>
      %shift_right_arithmetic3A_471 = arith.shrsi %get3A_468, %shift_right_arithmetic3A_470 : vector<16xi32>
      %swap3A_472 = arith.constant 48 : index
      %swap3A_473 = tpu.vector_load %arg34[%swap3A_472] {strides = array<i32>} : memref<64xi32, #tpu.memory_space<vmem>>, vector<16xi32>,
      tpu.vector_store %arg34[%swap3A_472], %shift_right_arithmetic3A_471 {strides = array<i32>} : memref<64xi32, #tpu.memory_space<vmem>>, vector<16xi32>,
      %and3A_474 = arith.constant 1 : i32
      %and3A_475 = vector.broadcast %and3A_474 : i32 to vector<16xi32>
      %and3A_476 = arith.andi %get3A_468, %and3A_475 : vector<16xi32>
      %swap3A_477 = arith.constant 48 : index
      %swap3A_478 = tpu.vector_load %arg38[%swap3A_477] {strides = array<i32>} : memref<64xi32, #tpu.memory_space<vmem>>, vector<16xi32>,
      tpu.vector_store %arg38[%swap3A_477], %and3A_476 {strides = array<i32>} : memref<64xi32, #tpu.memory_space<vmem>>, vector<16xi32>,
      %get3A_479 = arith.constant 0 : index
      %get3A_480 = tpu.vector_load %arg31[%get3A_479] {strides = array<i32>} : memref<64xi32, #tpu.memory_space<vmem>>, vector<16xi32>,
      %shift_right_arithmetic3A_481 = arith.constant 1 : i32
      %shift_right_arithmetic3A_482 = vector.broadcast %shift_right_arithmetic3A_481 : i32 to vector<16xi32>
      %shift_right_arithmetic3A_483 = arith.shrsi %get3A_480, %shift_right_arithmetic3A_482 : vector<16xi32>
      %swap3A_484 = arith.constant 0 : index
      %swap3A_485 = tpu.vector_load %arg35[%swap3A_484] {strides = array<i32>} : memref<64xi32, #tpu.memory_space<vmem>>, vector<16xi32>,
      tpu.vector_store %arg35[%swap3A_484], %shift_right_arithmetic3A_483 {strides = array<i32>} : memref<64xi32, #tpu.memory_space<vmem>>, vector<16xi32>,
      %and3A_486 = arith.constant 1 : i32
      %and3A_487 = vector.broadcast %and3A_486 : i32 to vector<16xi32>
      %and3A_488 = arith.andi %get3A_480, %and3A_487 : vector<16xi32>
      %swap3A_489 = arith.constant 0 : index
      %swap3A_490 = tpu.vector_load %arg39[%swap3A_489] {strides = array<i32>} : memref<64xi32, #tpu.memory_space<vmem>>, vector<16xi32>,
      tpu.vector_store %arg39[%swap3A_489], %and3A_488 {strides = array<i32>} : memref<64xi32, #tpu.memory_space<vmem>>, vector<16xi32>,
      %get3A_491 = arith.constant 16 : index
      %get3A_492 = tpu.vector_load %arg31[%get3A_491] {strides = array<i32>} : memref<64xi32, #tpu.memory_space<vmem>>, vector<16xi32>,
      %shift_right_arithmetic3A_493 = arith.constant 1 : i32
      %shift_right_arithmetic3A_494 = vector.broadcast %shift_right_arithmetic3A_493 : i32 to vector<16xi32>
      %shift_right_arithmetic3A_495 = arith.shrsi %get3A_492, %shift_right_arithmetic3A_494 : vector<16xi32>
      %swap3A_496 = arith.constant 16 : index
      %swap3A_497 = tpu.vector_load %arg35[%swap3A_496] {strides = array<i32>} : memref<64xi32, #tpu.memory_space<vmem>>, vector<16xi32>,
      tpu.vector_store %arg35[%swap3A_496], %shift_right_arithmetic3A_495 {strides = array<i32>} : memref<64xi32, #tpu.memory_space<vmem>>, vector<16xi32>,
      %and3A_498 = arith.constant 1 : i32
      %and3A_499 = vector.broadcast %and3A_498 : i32 to vector<16xi32>
      %and3A_500 = arith.andi %get3A_492, %and3A_499 : vector<16xi32>
      %swap3A_501 = arith.constant 16 : index
      %swap3A_502 = tpu.vector_load %arg39[%swap3A_501] {strides = array<i32>} : memref<64xi32, #tpu.memory_space<vmem>>, vector<16xi32>,
      tpu.vector_store %arg39[%swap3A_501], %and3A_500 {strides = array<i32>} : memref<64xi32, #tpu.memory_space<vmem>>, vector<16xi32>,
      %get3A_503 = arith.constant 32 : index
      %get3A_504 = tpu.vector_load %arg31[%get3A_503] {strides = array<i32>} : memref<64xi32, #tpu.memory_space<vmem>>, vector<16xi32>,
      %shift_right_arithmetic3A_505 = arith.constant 1 : i32
      %shift_right_arithmetic3A_506 = vector.broadcast %shift_right_arithmetic3A_505 : i32 to vector<16xi32>
      %shift_right_arithmetic3A_507 = arith.shrsi %get3A_504, %shift_right_arithmetic3A_506 : vector<16xi32>
      %swap3A_508 = arith.constant 32 : index
      %swap3A_509 = tpu.vector_load %arg35[%swap3A_508] {strides = array<i32>} : memref<64xi32, #tpu.memory_space<vmem>>, vector<16xi32>,
      tpu.vector_store %arg35[%swap3A_508], %shift_right_arithmetic3A_507 {strides = array<i32>} : memref<64xi32, #tpu.memory_space<vmem>>, vector<16xi32>,
      %and3A_510 = arith.constant 1 : i32
      %and3A_511 = vector.broadcast %and3A_510 : i32 to vector<16xi32>
      %and3A_512 = arith.andi %get3A_504, %and3A_511 : vector<16xi32>
      %swap3A_513 = arith.constant 32 : index
      %swap3A_514 = tpu.vector_load %arg39[%swap3A_513] {strides = array<i32>} : memref<64xi32, #tpu.memory_space<vmem>>, vector<16xi32>,
      tpu.vector_store %arg39[%swap3A_513], %and3A_512 {strides = array<i32>} : memref<64xi32, #tpu.memory_space<vmem>>, vector<16xi32>,
      %get3A_515 = arith.constant 48 : index
      %get3A_516 = tpu.vector_load %arg31[%get3A_515] {strides = array<i32>} : memref<64xi32, #tpu.memory_space<vmem>>, vector<16xi32>,
      %shift_right_arithmetic3A_517 = arith.constant 1 : i32
      %shift_right_arithmetic3A_518 = vector.broadcast %shift_right_arithmetic3A_517 : i32 to vector<16xi32>
      %shift_right_arithmetic3A_519 = arith.shrsi %get3A_516, %shift_right_arithmetic3A_518 : vector<16xi32>
      %swap3A_520 = arith.constant 48 : index
      %swap3A_521 = tpu.vector_load %arg35[%swap3A_520] {strides = array<i32>} : memref<64xi32, #tpu.memory_space<vmem>>, vector<16xi32>,
      tpu.vector_store %arg35[%swap3A_520], %shift_right_arithmetic3A_519 {strides = array<i32>} : memref<64xi32, #tpu.memory_space<vmem>>, vector<16xi32>,
      %and3A_522 = arith.constant 1 : i32
      %and3A_523 = vector.broadcast %and3A_522 : i32 to vector<16xi32>
      %and3A_524 = arith.andi %get3A_516, %and3A_523 : vector<16xi32>
      %swap3A_525 = arith.constant 48 : index
      %swap3A_526 = tpu.vector_load %arg39[%swap3A_525] {strides = array<i32>} : memref<64xi32, #tpu.memory_space<vmem>>, vector<16xi32>,
      tpu.vector_store %arg39[%swap3A_525], %and3A_524 {strides = array<i32>} : memref<64xi32, #tpu.memory_space<vmem>>, vector<16xi32>,
      %add3A_527 = arith.constant 2 : i32
      %add3A_528 = arith.addi %add3A_90, %add3A_527 : i32
      %lt3A_529 = arith.constant 128 : i32
      %lt3A_530 = arith.cmpi slt, %add3A_528, %lt3A_529 : i32
      %convert_element_type3A_531 = arith.extui %lt3A_530 : i1 to i32
      %cond3A_532 = arith.constant 0 : i32
      %cond3A_533 = arith.cmpi ne, %convert_element_type3A_531, %cond3A_532 : i32
      scf.if %cond3A_533 {
        %add3A_636 = arith.addi %mul3A_2, %add3A_528 : i32
        %mul3A_637 = arith.constant 64 : i32
        %mul3A_638 = arith.muli %add3A_636, %mul3A_637 : i32
        %dma_start3A_639 = tpu.memref_slice %arg2[%mul3A_638] : memref<262144xi32, #tpu.memory_space<hbm>> -> memref<64xi32, #tpu.memory_space<hbm>>
        %dma_start3A_640 = tpu.memref_slice %arg2[%mul3A_638] : memref<262144xi32, #tpu.memory_space<hbm>> -> memref<64xi32, #tpu.memory_space<hbm>>
        tpu.enqueue_dma source(%dma_start3A_640 : memref<64xi32, #tpu.memory_space<hbm>>) target(%arg28 : memref<64xi32, #tpu.memory_space<vmem>>) target_semaphore(%arg46 : memref<!tpu.dma_semaphore, #tpu.memory_space<semaphore_mem>>)
        %add3A_641 = arith.addi %mul3A_2, %add3A_528 : i32
        %mul3A_642 = arith.constant 64 : i32
        %mul3A_643 = arith.muli %add3A_641, %mul3A_642 : i32
        %dma_start3A_644 = tpu.memref_slice %arg3[%mul3A_643] : memref<262144xi32, #tpu.memory_space<hbm>> -> memref<64xi32, #tpu.memory_space<hbm>>
        %dma_start3A_645 = tpu.memref_slice %arg3[%mul3A_643] : memref<262144xi32, #tpu.memory_space<hbm>> -> memref<64xi32, #tpu.memory_space<hbm>>
        tpu.enqueue_dma source(%dma_start3A_645 : memref<64xi32, #tpu.memory_space<hbm>>) target(%arg29 : memref<64xi32, #tpu.memory_space<vmem>>) target_semaphore(%arg46 : memref<!tpu.dma_semaphore, #tpu.memory_space<semaphore_mem>>)
        %add3A_646 = arith.addi %mul3A_2, %add3A_528 : i32
        %mul3A_647 = arith.constant 64 : i32
        %mul3A_648 = arith.muli %add3A_646, %mul3A_647 : i32
        %dma_start3A_649 = tpu.memref_slice %arg4[%mul3A_648] : memref<262144xi32, #tpu.memory_space<hbm>> -> memref<64xi32, #tpu.memory_space<hbm>>
        %dma_start3A_650 = tpu.memref_slice %arg4[%mul3A_648] : memref<262144xi32, #tpu.memory_space<hbm>> -> memref<64xi32, #tpu.memory_space<hbm>>
        tpu.enqueue_dma source(%dma_start3A_650 : memref<64xi32, #tpu.memory_space<hbm>>) target(%arg30 : memref<64xi32, #tpu.memory_space<vmem>>) target_semaphore(%arg46 : memref<!tpu.dma_semaphore, #tpu.memory_space<semaphore_mem>>)
        %add3A_651 = arith.addi %mul3A_2, %add3A_528 : i32
        %mul3A_652 = arith.constant 64 : i32
        %mul3A_653 = arith.muli %add3A_651, %mul3A_652 : i32
        %dma_start3A_654 = tpu.memref_slice %arg5[%mul3A_653] : memref<262144xi32, #tpu.memory_space<hbm>> -> memref<64xi32, #tpu.memory_space<hbm>>
        %dma_start3A_655 = tpu.memref_slice %arg5[%mul3A_653] : memref<262144xi32, #tpu.memory_space<hbm>> -> memref<64xi32, #tpu.memory_space<hbm>>
        tpu.enqueue_dma source(%dma_start3A_655 : memref<64xi32, #tpu.memory_space<hbm>>) target(%arg31 : memref<64xi32, #tpu.memory_space<vmem>>) target_semaphore(%arg46 : memref<!tpu.dma_semaphore, #tpu.memory_space<semaphore_mem>>)
      } else {
      }
      %dma_start3A_534 = arith.constant 0 : i32
      %dma_start3A_535 = tpu.memref_slice %arg32[%dma_start3A_534] : memref<64xi32, #tpu.memory_space<vmem>> -> memref<50xi32, #tpu.memory_space<vmem>>
      %dma_start3A_536 = arith.constant 0 : i32
      %dma_start3A_537 = arith.constant 0 : i32
      %dma_start3A_538 = tpu.memref_slice %arg6[%dma_start3A_536, %dma_start3A_537] : memref<500000x128xf32, #tpu.memory_space<hbm>> -> memref<500000x128xf32, #tpu.memory_space<hbm>>
      tpu.enqueue_indirect_dma source(%dma_start3A_538 : memref<500000x128xf32, #tpu.memory_space<hbm>>) target(%arg40 : memref<50x128xf32, #tpu.memory_space<vmem>>) offsets(%dma_start3A_535 : memref<50xi32, #tpu.memory_space<vmem>>) semaphore(%arg48 : memref<!tpu.dma_semaphore, #tpu.memory_space<semaphore_mem>>)
      %dma_start3A_539 = arith.constant 0 : i32
      %dma_start3A_540 = tpu.memref_slice %arg33[%dma_start3A_539] : memref<64xi32, #tpu.memory_space<vmem>> -> memref<50xi32, #tpu.memory_space<vmem>>
      %dma_start3A_541 = arith.constant 0 : i32
      %dma_start3A_542 = arith.constant 0 : i32
      %dma_start3A_543 = tpu.memref_slice %arg7[%dma_start3A_541, %dma_start3A_542] : memref<50000x128xf32, #tpu.memory_space<hbm>> -> memref<50000x128xf32, #tpu.memory_space<hbm>>
      tpu.enqueue_indirect_dma source(%dma_start3A_543 : memref<50000x128xf32, #tpu.memory_space<hbm>>) target(%arg41 : memref<50x128xf32, #tpu.memory_space<vmem>>) offsets(%dma_start3A_540 : memref<50xi32, #tpu.memory_space<vmem>>) semaphore(%arg48 : memref<!tpu.dma_semaphore, #tpu.memory_space<semaphore_mem>>)
      %dma_start3A_544 = arith.constant 0 : i32
      %dma_start3A_545 = tpu.memref_slice %arg34[%dma_start3A_544] : memref<64xi32, #tpu.memory_space<vmem>> -> memref<50xi32, #tpu.memory_space<vmem>>
      %dma_start3A_546 = arith.constant 0 : i32
      %dma_start3A_547 = arith.constant 0 : i32
      %dma_start3A_548 = tpu.memref_slice %arg8[%dma_start3A_546, %dma_start3A_547] : memref<500x128xf32, #tpu.memory_space<hbm>> -> memref<500x128xf32, #tpu.memory_space<hbm>>
      tpu.enqueue_indirect_dma source(%dma_start3A_548 : memref<500x128xf32, #tpu.memory_space<hbm>>) target(%arg42 : memref<50x128xf32, #tpu.memory_space<vmem>>) offsets(%dma_start3A_545 : memref<50xi32, #tpu.memory_space<vmem>>) semaphore(%arg48 : memref<!tpu.dma_semaphore, #tpu.memory_space<semaphore_mem>>)
      %dma_start3A_549 = arith.constant 0 : i32
      %dma_start3A_550 = tpu.memref_slice %arg35[%dma_start3A_549] : memref<64xi32, #tpu.memory_space<vmem>> -> memref<50xi32, #tpu.memory_space<vmem>>
      %dma_start3A_551 = arith.constant 0 : i32
      %dma_start3A_552 = arith.constant 0 : i32
      %dma_start3A_553 = tpu.memref_slice %arg9[%dma_start3A_551, %dma_start3A_552] : memref<500x128xf32, #tpu.memory_space<hbm>> -> memref<500x128xf32, #tpu.memory_space<hbm>>
      tpu.enqueue_indirect_dma source(%dma_start3A_553 : memref<500x128xf32, #tpu.memory_space<hbm>>) target(%arg43 : memref<50x128xf32, #tpu.memory_space<vmem>>) offsets(%dma_start3A_550 : memref<50xi32, #tpu.memory_space<vmem>>) semaphore(%arg48 : memref<!tpu.dma_semaphore, #tpu.memory_space<semaphore_mem>>)
      %dma_wait3A_554 = arith.constant 0 : i32
      %dma_wait3A_555 = tpu.memref_slice %arg15[%dma_wait3A_554] : memref<64xi32, #tpu.memory_space<vmem>> -> memref<50xi32, #tpu.memory_space<vmem>>
      %dma_wait3A_556 = arith.constant 0 : i32
      %dma_wait3A_557 = arith.constant 0 : i32
      %dma_wait3A_558 = tpu.memref_slice %arg6[%dma_wait3A_556, %dma_wait3A_557] : memref<500000x128xf32, #tpu.memory_space<hbm>> -> memref<500000x128xf32, #tpu.memory_space<hbm>>
      tpu.wait_indirect_dma semaphore(%arg47 : memref<!tpu.dma_semaphore, #tpu.memory_space<semaphore_mem>>) src(%dma_wait3A_558 : memref<500000x128xf32, #tpu.memory_space<hbm>>) dst(%arg23 : memref<50x128xf32, #tpu.memory_space<vmem>>)
      %dma_wait3A_559 = arith.constant 0 : i32
      %dma_wait3A_560 = tpu.memref_slice %arg16[%dma_wait3A_559] : memref<64xi32, #tpu.memory_space<vmem>> -> memref<50xi32, #tpu.memory_space<vmem>>
      %dma_wait3A_561 = arith.constant 0 : i32
      %dma_wait3A_562 = arith.constant 0 : i32
      %dma_wait3A_563 = tpu.memref_slice %arg7[%dma_wait3A_561, %dma_wait3A_562] : memref<50000x128xf32, #tpu.memory_space<hbm>> -> memref<50000x128xf32, #tpu.memory_space<hbm>>
      tpu.wait_indirect_dma semaphore(%arg47 : memref<!tpu.dma_semaphore, #tpu.memory_space<semaphore_mem>>) src(%dma_wait3A_563 : memref<50000x128xf32, #tpu.memory_space<hbm>>) dst(%arg24 : memref<50x128xf32, #tpu.memory_space<vmem>>)
      %dma_wait3A_564 = arith.constant 0 : i32
      %dma_wait3A_565 = tpu.memref_slice %arg17[%dma_wait3A_564] : memref<64xi32, #tpu.memory_space<vmem>> -> memref<50xi32, #tpu.memory_space<vmem>>
      %dma_wait3A_566 = arith.constant 0 : i32
      %dma_wait3A_567 = arith.constant 0 : i32
      %dma_wait3A_568 = tpu.memref_slice %arg8[%dma_wait3A_566, %dma_wait3A_567] : memref<500x128xf32, #tpu.memory_space<hbm>> -> memref<500x128xf32, #tpu.memory_space<hbm>>
      tpu.wait_indirect_dma semaphore(%arg47 : memref<!tpu.dma_semaphore, #tpu.memory_space<semaphore_mem>>) src(%dma_wait3A_568 : memref<500x128xf32, #tpu.memory_space<hbm>>) dst(%arg25 : memref<50x128xf32, #tpu.memory_space<vmem>>)
      %dma_wait3A_569 = arith.constant 0 : i32
      %dma_wait3A_570 = tpu.memref_slice %arg18[%dma_wait3A_569] : memref<64xi32, #tpu.memory_space<vmem>> -> memref<50xi32, #tpu.memory_space<vmem>>
      %dma_wait3A_571 = arith.constant 0 : i32
      %dma_wait3A_572 = arith.constant 0 : i32
      %dma_wait3A_573 = tpu.memref_slice %arg9[%dma_wait3A_571, %dma_wait3A_572] : memref<500x128xf32, #tpu.memory_space<hbm>> -> memref<500x128xf32, #tpu.memory_space<hbm>>
      tpu.wait_indirect_dma semaphore(%arg47 : memref<!tpu.dma_semaphore, #tpu.memory_space<semaphore_mem>>) src(%dma_wait3A_573 : memref<500x128xf32, #tpu.memory_space<hbm>>) dst(%arg26 : memref<50x128xf32, #tpu.memory_space<vmem>>)
      %gt3A = arith.constant 0 : i32
      %gt3A_574 = arith.cmpi sgt, %scan3A_83, %gt3A : i32
      %convert_element_type3A_575 = arith.extui %gt3A_574 : i1 to i32
      %cond3A_576 = arith.constant 0 : i32
      %cond3A_577 = arith.cmpi ne, %convert_element_type3A_575, %cond3A_576 : i32
      scf.if %cond3A_577 {
        %dma_wait3A_636 = arith.constant 0 : i32
        %dma_wait3A_637 = arith.constant 0 : i32
        %dma_wait3A_638 = tpu.memref_slice %arg10[%mul3A_2, %dma_wait3A_636, %dma_wait3A_637] : memref<4096x50x256xf32, #tpu.memory_space<hbm>> -> memref<1x50x256xf32, #tpu.memory_space<hbm>>
        %dma_wait3A_639 = tpu.memref_squeeze %dma_wait3A_638 : memref<1x50x256xf32, #tpu.memory_space<hbm>> -> memref<50x256xf32, #tpu.memory_space<hbm>>
        %dma_wait3A_640 = arith.constant 0 : i32
        %dma_wait3A_641 = arith.constant 0 : i32
        %dma_wait3A_642 = tpu.memref_slice %arg10[%mul3A_2, %dma_wait3A_640, %dma_wait3A_641] : memref<4096x50x256xf32, #tpu.memory_space<hbm>> -> memref<1x50x256xf32, #tpu.memory_space<hbm>>
        %dma_wait3A_643 = tpu.memref_squeeze %dma_wait3A_642 : memref<1x50x256xf32, #tpu.memory_space<hbm>> -> memref<50x256xf32, #tpu.memory_space<hbm>>
        tpu.wait_dma2 semaphore(%arg49 : memref<!tpu.dma_semaphore, #tpu.memory_space<semaphore_mem>>) src(%dma_wait3A_643 : memref<50x256xf32, #tpu.memory_space<hbm>>) dst(%arg27 : memref<50x256xf32, #tpu.memory_space<vmem>>)
      } else {
      }
      %scan3A_578 = arith.constant 0 : i32
      %scan3A_579 = arith.constant 0 : i32
      %scan3A_580 = arith.constant 50 : i32
      %scan3A_581 = arith.addi %scan3A_579, %scan3A_580 : i32
      %scan3A_582 = arith.constant 1 : i32
      %scan3A_583 = scf.for %scan3A_636 = %scan3A_579 to %scan3A_581 step %scan3A_582 iter_args(%scan3A_637 = %scan3A_578) -> (i32)  : i32 {
        %mul3A_638 = arith.constant 0 : i32
        %mul3A_639 = vector.broadcast %mul3A_638 : i32 to vector<16xi32>
        %mul3A_640 = arith.muli %iota3A, %mul3A_639 : vector<16xi32>
        %add3A_641 = vector.broadcast %scan3A_636 : i32 to vector<16xi32>
        %add3A_642 = arith.addi %mul3A_640, %add3A_641 : vector<16xi32>
        %gather3A = tpu.vector_load_idx %arg19[%add3A_642] : memref<64xi32, #tpu.memory_space<vmem>>[vector<16xi32>], vector<16xi32>,
        %mul3A_643 = arith.constant 64 : i32
        %mul3A_644 = vector.broadcast %mul3A_643 : i32 to vector<16xi32>
        %mul3A_645 = arith.muli %gather3A, %mul3A_644 : vector<16xi32>
        %gather3A_646 = tpu.vector_load_idx %arg20[%add3A_642] : memref<64xi32, #tpu.memory_space<vmem>>[vector<16xi32>], vector<16xi32>,
        %mul3A_647 = arith.constant 64 : i32
        %mul3A_648 = vector.broadcast %mul3A_647 : i32 to vector<16xi32>
        %mul3A_649 = arith.muli %gather3A_646, %mul3A_648 : vector<16xi32>
        %gather3A_650 = tpu.vector_load_idx %arg21[%add3A_642] : memref<64xi32, #tpu.memory_space<vmem>>[vector<16xi32>], vector<16xi32>,
        %mul3A_651 = arith.constant 64 : i32
        %mul3A_652 = vector.broadcast %mul3A_651 : i32 to vector<16xi32>
        %mul3A_653 = arith.muli %gather3A_650, %mul3A_652 : vector<16xi32>
        %gather3A_654 = tpu.vector_load_idx %arg22[%add3A_642] : memref<64xi32, #tpu.memory_space<vmem>>[vector<16xi32>], vector<16xi32>,
        %mul3A_655 = arith.constant 64 : i32
        %mul3A_656 = vector.broadcast %mul3A_655 : i32 to vector<16xi32>
        %mul3A_657 = arith.muli %gather3A_654, %mul3A_656 : vector<16xi32>
        %add3A_658 = arith.addi %mul3A_645, %add3A_5 : vector<16xi32>
        %gather3A_659 = tpu.vector_load_idx %arg23[%add3A_642, %add3A_658] : memref<50x128xf32, #tpu.memory_space<vmem>>[vector<16xi32>, vector<16xi32>], vector<16xf32>,
        %add3A_660 = arith.addi %mul3A_649, %add3A_5 : vector<16xi32>
        %gather3A_661 = tpu.vector_load_idx %arg24[%add3A_642, %add3A_660] : memref<50x128xf32, #tpu.memory_space<vmem>>[vector<16xi32>, vector<16xi32>], vector<16xf32>,
        %add3A_662 = arith.addi %mul3A_653, %add3A_5 : vector<16xi32>
        %gather3A_663 = tpu.vector_load_idx %arg25[%add3A_642, %add3A_662] : memref<50x128xf32, #tpu.memory_space<vmem>>[vector<16xi32>, vector<16xi32>], vector<16xf32>,
        %add3A_664 = arith.addi %mul3A_657, %add3A_5 : vector<16xi32>
        %gather3A_665 = tpu.vector_load_idx %arg26[%add3A_642, %add3A_664] : memref<50x128xf32, #tpu.memory_space<vmem>>[vector<16xi32>, vector<16xi32>], vector<16xf32>,
        %add3A_666 = arith.constant 0 : i32
        %add3A_667 = vector.broadcast %add3A_666 : i32 to vector<16xi32>
        %add3A_668 = arith.addi %add3A_5, %add3A_667 : vector<16xi32>
        tpu.vector_store_idx %arg27[%add3A_642, %add3A_668], %gather3A_659 : memref<50x256xf32, #tpu.memory_space<vmem>>[vector<16xi32>, vector<16xi32>], vector<16xf32>,
        %add3A_669 = arith.constant 64 : i32
        %add3A_670 = vector.broadcast %add3A_669 : i32 to vector<16xi32>
        %add3A_671 = arith.addi %add3A_5, %add3A_670 : vector<16xi32>
        tpu.vector_store_idx %arg27[%add3A_642, %add3A_671], %gather3A_661 : memref<50x256xf32, #tpu.memory_space<vmem>>[vector<16xi32>, vector<16xi32>], vector<16xf32>,
        %add3A_672 = arith.constant 128 : i32
        %add3A_673 = vector.broadcast %add3A_672 : i32 to vector<16xi32>
        %add3A_674 = arith.addi %add3A_5, %add3A_673 : vector<16xi32>
        tpu.vector_store_idx %arg27[%add3A_642, %add3A_674], %gather3A_663 : memref<50x256xf32, #tpu.memory_space<vmem>>[vector<16xi32>, vector<16xi32>], vector<16xf32>,
        %add3A_675 = arith.constant 192 : i32
        %add3A_676 = vector.broadcast %add3A_675 : i32 to vector<16xi32>
        %add3A_677 = arith.addi %add3A_5, %add3A_676 : vector<16xi32>
        tpu.vector_store_idx %arg27[%add3A_642, %add3A_677], %gather3A_665 : memref<50x256xf32, #tpu.memory_space<vmem>>[vector<16xi32>, vector<16xi32>], vector<16xf32>,
        %add3A_678 = arith.addi %mul3A_645, %add3A_8 : vector<16xi32>
        %gather3A_679 = tpu.vector_load_idx %arg23[%add3A_642, %add3A_678] : memref<50x128xf32, #tpu.memory_space<vmem>>[vector<16xi32>, vector<16xi32>], vector<16xf32>,
        %add3A_680 = arith.addi %mul3A_649, %add3A_8 : vector<16xi32>
        %gather3A_681 = tpu.vector_load_idx %arg24[%add3A_642, %add3A_680] : memref<50x128xf32, #tpu.memory_space<vmem>>[vector<16xi32>, vector<16xi32>], vector<16xf32>,
        %add3A_682 = arith.addi %mul3A_653, %add3A_8 : vector<16xi32>
        %gather3A_683 = tpu.vector_load_idx %arg25[%add3A_642, %add3A_682] : memref<50x128xf32, #tpu.memory_space<vmem>>[vector<16xi32>, vector<16xi32>], vector<16xf32>,
        %add3A_684 = arith.addi %mul3A_657, %add3A_8 : vector<16xi32>
        %gather3A_685 = tpu.vector_load_idx %arg26[%add3A_642, %add3A_684] : memref<50x128xf32, #tpu.memory_space<vmem>>[vector<16xi32>, vector<16xi32>], vector<16xf32>,
        %add3A_686 = arith.constant 0 : i32
        %add3A_687 = vector.broadcast %add3A_686 : i32 to vector<16xi32>
        %add3A_688 = arith.addi %add3A_8, %add3A_687 : vector<16xi32>
        tpu.vector_store_idx %arg27[%add3A_642, %add3A_688], %gather3A_679 : memref<50x256xf32, #tpu.memory_space<vmem>>[vector<16xi32>, vector<16xi32>], vector<16xf32>,
        %add3A_689 = arith.constant 64 : i32
        %add3A_690 = vector.broadcast %add3A_689 : i32 to vector<16xi32>
        %add3A_691 = arith.addi %add3A_8, %add3A_690 : vector<16xi32>
        tpu.vector_store_idx %arg27[%add3A_642, %add3A_691], %gather3A_681 : memref<50x256xf32, #tpu.memory_space<vmem>>[vector<16xi32>, vector<16xi32>], vector<16xf32>,
        %add3A_692 = arith.constant 128 : i32
        %add3A_693 = vector.broadcast %add3A_692 : i32 to vector<16xi32>
        %add3A_694 = arith.addi %add3A_8, %add3A_693 : vector<16xi32>
        tpu.vector_store_idx %arg27[%add3A_642, %add3A_694], %gather3A_683 : memref<50x256xf32, #tpu.memory_space<vmem>>[vector<16xi32>, vector<16xi32>], vector<16xf32>,
        %add3A_695 = arith.constant 192 : i32
        %add3A_696 = vector.broadcast %add3A_695 : i32 to vector<16xi32>
        %add3A_697 = arith.addi %add3A_8, %add3A_696 : vector<16xi32>
        tpu.vector_store_idx %arg27[%add3A_642, %add3A_697], %gather3A_685 : memref<50x256xf32, #tpu.memory_space<vmem>>[vector<16xi32>, vector<16xi32>], vector<16xf32>,
        %add3A_698 = arith.addi %mul3A_645, %add3A_11 : vector<16xi32>
        %gather3A_699 = tpu.vector_load_idx %arg23[%add3A_642, %add3A_698] : memref<50x128xf32, #tpu.memory_space<vmem>>[vector<16xi32>, vector<16xi32>], vector<16xf32>,
        %add3A_700 = arith.addi %mul3A_649, %add3A_11 : vector<16xi32>
        %gather3A_701 = tpu.vector_load_idx %arg24[%add3A_642, %add3A_700] : memref<50x128xf32, #tpu.memory_space<vmem>>[vector<16xi32>, vector<16xi32>], vector<16xf32>,
        %add3A_702 = arith.addi %mul3A_653, %add3A_11 : vector<16xi32>
        %gather3A_703 = tpu.vector_load_idx %arg25[%add3A_642, %add3A_702] : memref<50x128xf32, #tpu.memory_space<vmem>>[vector<16xi32>, vector<16xi32>], vector<16xf32>,
        %add3A_704 = arith.addi %mul3A_657, %add3A_11 : vector<16xi32>
        %gather3A_705 = tpu.vector_load_idx %arg26[%add3A_642, %add3A_704] : memref<50x128xf32, #tpu.memory_space<vmem>>[vector<16xi32>, vector<16xi32>], vector<16xf32>,
        %add3A_706 = arith.constant 0 : i32
        %add3A_707 = vector.broadcast %add3A_706 : i32 to vector<16xi32>
        %add3A_708 = arith.addi %add3A_11, %add3A_707 : vector<16xi32>
        tpu.vector_store_idx %arg27[%add3A_642, %add3A_708], %gather3A_699 : memref<50x256xf32, #tpu.memory_space<vmem>>[vector<16xi32>, vector<16xi32>], vector<16xf32>,
        %add3A_709 = arith.constant 64 : i32
        %add3A_710 = vector.broadcast %add3A_709 : i32 to vector<16xi32>
        %add3A_711 = arith.addi %add3A_11, %add3A_710 : vector<16xi32>
        tpu.vector_store_idx %arg27[%add3A_642, %add3A_711], %gather3A_701 : memref<50x256xf32, #tpu.memory_space<vmem>>[vector<16xi32>, vector<16xi32>], vector<16xf32>,
        %add3A_712 = arith.constant 128 : i32
        %add3A_713 = vector.broadcast %add3A_712 : i32 to vector<16xi32>
        %add3A_714 = arith.addi %add3A_11, %add3A_713 : vector<16xi32>
        tpu.vector_store_idx %arg27[%add3A_642, %add3A_714], %gather3A_703 : memref<50x256xf32, #tpu.memory_space<vmem>>[vector<16xi32>, vector<16xi32>], vector<16xf32>,
        %add3A_715 = arith.constant 192 : i32
        %add3A_716 = vector.broadcast %add3A_715 : i32 to vector<16xi32>
        %add3A_717 = arith.addi %add3A_11, %add3A_716 : vector<16xi32>
        tpu.vector_store_idx %arg27[%add3A_642, %add3A_717], %gather3A_705 : memref<50x256xf32, #tpu.memory_space<vmem>>[vector<16xi32>, vector<16xi32>], vector<16xf32>,
        %add3A_718 = arith.addi %mul3A_645, %add3A_14 : vector<16xi32>
        %gather3A_719 = tpu.vector_load_idx %arg23[%add3A_642, %add3A_718] : memref<50x128xf32, #tpu.memory_space<vmem>>[vector<16xi32>, vector<16xi32>], vector<16xf32>,
        %add3A_720 = arith.addi %mul3A_649, %add3A_14 : vector<16xi32>
        %gather3A_721 = tpu.vector_load_idx %arg24[%add3A_642, %add3A_720] : memref<50x128xf32, #tpu.memory_space<vmem>>[vector<16xi32>, vector<16xi32>], vector<16xf32>,
        %add3A_722 = arith.addi %mul3A_653, %add3A_14 : vector<16xi32>
        %gather3A_723 = tpu.vector_load_idx %arg25[%add3A_642, %add3A_722] : memref<50x128xf32, #tpu.memory_space<vmem>>[vector<16xi32>, vector<16xi32>], vector<16xf32>,
        %add3A_724 = arith.addi %mul3A_657, %add3A_14 : vector<16xi32>
        %gather3A_725 = tpu.vector_load_idx %arg26[%add3A_642, %add3A_724] : memref<50x128xf32, #tpu.memory_space<vmem>>[vector<16xi32>, vector<16xi32>], vector<16xf32>,
        %add3A_726 = arith.constant 0 : i32
        %add3A_727 = vector.broadcast %add3A_726 : i32 to vector<16xi32>
        %add3A_728 = arith.addi %add3A_14, %add3A_727 : vector<16xi32>
        tpu.vector_store_idx %arg27[%add3A_642, %add3A_728], %gather3A_719 : memref<50x256xf32, #tpu.memory_space<vmem>>[vector<16xi32>, vector<16xi32>], vector<16xf32>,
        %add3A_729 = arith.constant 64 : i32
        %add3A_730 = vector.broadcast %add3A_729 : i32 to vector<16xi32>
        %add3A_731 = arith.addi %add3A_14, %add3A_730 : vector<16xi32>
        tpu.vector_store_idx %arg27[%add3A_642, %add3A_731], %gather3A_721 : memref<50x256xf32, #tpu.memory_space<vmem>>[vector<16xi32>, vector<16xi32>], vector<16xf32>,
        %add3A_732 = arith.constant 128 : i32
        %add3A_733 = vector.broadcast %add3A_732 : i32 to vector<16xi32>
        %add3A_734 = arith.addi %add3A_14, %add3A_733 : vector<16xi32>
        tpu.vector_store_idx %arg27[%add3A_642, %add3A_734], %gather3A_723 : memref<50x256xf32, #tpu.memory_space<vmem>>[vector<16xi32>, vector<16xi32>], vector<16xf32>,
        %add3A_735 = arith.constant 192 : i32
        %add3A_736 = vector.broadcast %add3A_735 : i32 to vector<16xi32>
        %add3A_737 = arith.addi %add3A_14, %add3A_736 : vector<16xi32>
        tpu.vector_store_idx %arg27[%add3A_642, %add3A_737], %gather3A_725 : memref<50x256xf32, #tpu.memory_space<vmem>>[vector<16xi32>, vector<16xi32>], vector<16xf32>,
        %scan3A_738 = arith.constant 0 : i32
        scf.yield %scan3A_738 : i32
      }
      %scan3A_584 = arith.constant 50 : i32
      %add3A_585 = arith.addi %mul3A_2, %mul3A_86 : i32
      %dma_start3A_586 = arith.constant 0 : i32
      %dma_start3A_587 = arith.constant 0 : i32
      %dma_start3A_588 = tpu.memref_slice %arg10[%add3A_585, %dma_start3A_586, %dma_start3A_587] : memref<4096x50x256xf32, #tpu.memory_space<hbm>> -> memref<1x50x256xf32, #tpu.memory_space<hbm>>
      %dma_start3A_589 = tpu.memref_squeeze %dma_start3A_588 : memref<1x50x256xf32, #tpu.memory_space<hbm>> -> memref<50x256xf32, #tpu.memory_space<hbm>>
      %dma_start3A_590 = arith.constant 0 : i32
      %dma_start3A_591 = arith.constant 0 : i32
      %dma_start3A_592 = tpu.memref_slice %arg10[%add3A_585, %dma_start3A_590, %dma_start3A_591] : memref<4096x50x256xf32, #tpu.memory_space<hbm>> -> memref<1x50x256xf32, #tpu.memory_space<hbm>>
      %dma_start3A_593 = tpu.memref_squeeze %dma_start3A_592 : memref<1x50x256xf32, #tpu.memory_space<hbm>> -> memref<50x256xf32, #tpu.memory_space<hbm>>
      tpu.enqueue_dma source(%arg27 : memref<50x256xf32, #tpu.memory_space<vmem>>) target(%dma_start3A_593 : memref<50x256xf32, #tpu.memory_space<hbm>>) target_semaphore(%arg49 : memref<!tpu.dma_semaphore, #tpu.memory_space<semaphore_mem>>)
      %dma_wait3A_594 = arith.constant 0 : i32
      %dma_wait3A_595 = tpu.memref_slice %arg32[%dma_wait3A_594] : memref<64xi32, #tpu.memory_space<vmem>> -> memref<50xi32, #tpu.memory_space<vmem>>
      %dma_wait3A_596 = arith.constant 0 : i32
      %dma_wait3A_597 = arith.constant 0 : i32
      %dma_wait3A_598 = tpu.memref_slice %arg6[%dma_wait3A_596, %dma_wait3A_597] : memref<500000x128xf32, #tpu.memory_space<hbm>> -> memref<500000x128xf32, #tpu.memory_space<hbm>>
      tpu.wait_indirect_dma semaphore(%arg48 : memref<!tpu.dma_semaphore, #tpu.memory_space<semaphore_mem>>) src(%dma_wait3A_598 : memref<500000x128xf32, #tpu.memory_space<hbm>>) dst(%arg40 : memref<50x128xf32, #tpu.memory_space<vmem>>)
      %dma_wait3A_599 = arith.constant 0 : i32
      %dma_wait3A_600 = tpu.memref_slice %arg33[%dma_wait3A_599] : memref<64xi32, #tpu.memory_space<vmem>> -> memref<50xi32, #tpu.memory_space<vmem>>
      %dma_wait3A_601 = arith.constant 0 : i32
      %dma_wait3A_602 = arith.constant 0 : i32
      %dma_wait3A_603 = tpu.memref_slice %arg7[%dma_wait3A_601, %dma_wait3A_602] : memref<50000x128xf32, #tpu.memory_space<hbm>> -> memref<50000x128xf32, #tpu.memory_space<hbm>>
      tpu.wait_indirect_dma semaphore(%arg48 : memref<!tpu.dma_semaphore, #tpu.memory_space<semaphore_mem>>) src(%dma_wait3A_603 : memref<50000x128xf32, #tpu.memory_space<hbm>>) dst(%arg41 : memref<50x128xf32, #tpu.memory_space<vmem>>)
      %dma_wait3A_604 = arith.constant 0 : i32
      %dma_wait3A_605 = tpu.memref_slice %arg34[%dma_wait3A_604] : memref<64xi32, #tpu.memory_space<vmem>> -> memref<50xi32, #tpu.memory_space<vmem>>
      %dma_wait3A_606 = arith.constant 0 : i32
      %dma_wait3A_607 = arith.constant 0 : i32
      %dma_wait3A_608 = tpu.memref_slice %arg8[%dma_wait3A_606, %dma_wait3A_607] : memref<500x128xf32, #tpu.memory_space<hbm>> -> memref<500x128xf32, #tpu.memory_space<hbm>>
      tpu.wait_indirect_dma semaphore(%arg48 : memref<!tpu.dma_semaphore, #tpu.memory_space<semaphore_mem>>) src(%dma_wait3A_608 : memref<500x128xf32, #tpu.memory_space<hbm>>) dst(%arg42 : memref<50x128xf32, #tpu.memory_space<vmem>>)
      %dma_wait3A_609 = arith.constant 0 : i32
      %dma_wait3A_610 = tpu.memref_slice %arg35[%dma_wait3A_609] : memref<64xi32, #tpu.memory_space<vmem>> -> memref<50xi32, #tpu.memory_space<vmem>>
      %dma_wait3A_611 = arith.constant 0 : i32
      %dma_wait3A_612 = arith.constant 0 : i32
      %dma_wait3A_613 = tpu.memref_slice %arg9[%dma_wait3A_611, %dma_wait3A_612] : memref<500x128xf32, #tpu.memory_space<hbm>> -> memref<500x128xf32, #tpu.memory_space<hbm>>
      tpu.wait_indirect_dma semaphore(%arg48 : memref<!tpu.dma_semaphore, #tpu.memory_space<semaphore_mem>>) src(%dma_wait3A_613 : memref<500x128xf32, #tpu.memory_space<hbm>>) dst(%arg43 : memref<50x128xf32, #tpu.memory_space<vmem>>)
      %gt3A_614 = arith.constant 0 : i32
      %gt3A_615 = arith.cmpi sgt, %scan3A_83, %gt3A_614 : i32
      %convert_element_type3A_616 = arith.extui %gt3A_615 : i1 to i32
      %cond3A_617 = arith.constant 0 : i32
      %cond3A_618 = arith.cmpi ne, %convert_element_type3A_616, %cond3A_617 : i32
      scf.if %cond3A_618 {
        %dma_wait3A_636 = arith.constant 0 : i32
        %dma_wait3A_637 = arith.constant 0 : i32
        %dma_wait3A_638 = tpu.memref_slice %arg10[%mul3A_2, %dma_wait3A_636, %dma_wait3A_637] : memref<4096x50x256xf32, #tpu.memory_space<hbm>> -> memref<1x50x256xf32, #tpu.memory_space<hbm>>
        %dma_wait3A_639 = tpu.memref_squeeze %dma_wait3A_638 : memref<1x50x256xf32, #tpu.memory_space<hbm>> -> memref<50x256xf32, #tpu.memory_space<hbm>>
        %dma_wait3A_640 = arith.constant 0 : i32
        %dma_wait3A_641 = arith.constant 0 : i32
        %dma_wait3A_642 = tpu.memref_slice %arg10[%mul3A_2, %dma_wait3A_640, %dma_wait3A_641] : memref<4096x50x256xf32, #tpu.memory_space<hbm>> -> memref<1x50x256xf32, #tpu.memory_space<hbm>>
        %dma_wait3A_643 = tpu.memref_squeeze %dma_wait3A_642 : memref<1x50x256xf32, #tpu.memory_space<hbm>> -> memref<50x256xf32, #tpu.memory_space<hbm>>
        tpu.wait_dma2 semaphore(%arg50 : memref<!tpu.dma_semaphore, #tpu.memory_space<semaphore_mem>>) src(%dma_wait3A_643 : memref<50x256xf32, #tpu.memory_space<hbm>>) dst(%arg44 : memref<50x256xf32, #tpu.memory_space<vmem>>)
      } else {
      }
      %scan3A_619 = arith.constant 0 : i32
      %scan3A_620 = arith.constant 0 : i32
      %scan3A_621 = arith.constant 50 : i32
      %scan3A_622 = arith.addi %scan3A_620, %scan3A_621 : i32
      %scan3A_623 = arith.constant 1 : i32
      %scan3A_624 = scf.for %scan3A_636 = %scan3A_620 to %scan3A_622 step %scan3A_623 iter_args(%scan3A_637 = %scan3A_619) -> (i32)  : i32 {
        %mul3A_638 = arith.constant 0 : i32
        %mul3A_639 = vector.broadcast %mul3A_638 : i32 to vector<16xi32>
        %mul3A_640 = arith.muli %iota3A, %mul3A_639 : vector<16xi32>
        %add3A_641 = vector.broadcast %scan3A_636 : i32 to vector<16xi32>
        %add3A_642 = arith.addi %mul3A_640, %add3A_641 : vector<16xi32>
        %gather3A = tpu.vector_load_idx %arg36[%add3A_642] : memref<64xi32, #tpu.memory_space<vmem>>[vector<16xi32>], vector<16xi32>,
        %mul3A_643 = arith.constant 64 : i32
        %mul3A_644 = vector.broadcast %mul3A_643 : i32 to vector<16xi32>
        %mul3A_645 = arith.muli %gather3A, %mul3A_644 : vector<16xi32>
        %gather3A_646 = tpu.vector_load_idx %arg37[%add3A_642] : memref<64xi32, #tpu.memory_space<vmem>>[vector<16xi32>], vector<16xi32>,
        %mul3A_647 = arith.constant 64 : i32
        %mul3A_648 = vector.broadcast %mul3A_647 : i32 to vector<16xi32>
        %mul3A_649 = arith.muli %gather3A_646, %mul3A_648 : vector<16xi32>
        %gather3A_650 = tpu.vector_load_idx %arg38[%add3A_642] : memref<64xi32, #tpu.memory_space<vmem>>[vector<16xi32>], vector<16xi32>,
        %mul3A_651 = arith.constant 64 : i32
        %mul3A_652 = vector.broadcast %mul3A_651 : i32 to vector<16xi32>
        %mul3A_653 = arith.muli %gather3A_650, %mul3A_652 : vector<16xi32>
        %gather3A_654 = tpu.vector_load_idx %arg39[%add3A_642] : memref<64xi32, #tpu.memory_space<vmem>>[vector<16xi32>], vector<16xi32>,
        %mul3A_655 = arith.constant 64 : i32
        %mul3A_656 = vector.broadcast %mul3A_655 : i32 to vector<16xi32>
        %mul3A_657 = arith.muli %gather3A_654, %mul3A_656 : vector<16xi32>
        %add3A_658 = arith.addi %mul3A_645, %add3A_5 : vector<16xi32>
        %gather3A_659 = tpu.vector_load_idx %arg40[%add3A_642, %add3A_658] : memref<50x128xf32, #tpu.memory_space<vmem>>[vector<16xi32>, vector<16xi32>], vector<16xf32>,
        %add3A_660 = arith.addi %mul3A_649, %add3A_5 : vector<16xi32>
        %gather3A_661 = tpu.vector_load_idx %arg41[%add3A_642, %add3A_660] : memref<50x128xf32, #tpu.memory_space<vmem>>[vector<16xi32>, vector<16xi32>], vector<16xf32>,
        %add3A_662 = arith.addi %mul3A_653, %add3A_5 : vector<16xi32>
        %gather3A_663 = tpu.vector_load_idx %arg42[%add3A_642, %add3A_662] : memref<50x128xf32, #tpu.memory_space<vmem>>[vector<16xi32>, vector<16xi32>], vector<16xf32>,
        %add3A_664 = arith.addi %mul3A_657, %add3A_5 : vector<16xi32>
        %gather3A_665 = tpu.vector_load_idx %arg43[%add3A_642, %add3A_664] : memref<50x128xf32, #tpu.memory_space<vmem>>[vector<16xi32>, vector<16xi32>], vector<16xf32>,
        %add3A_666 = arith.constant 0 : i32
        %add3A_667 = vector.broadcast %add3A_666 : i32 to vector<16xi32>
        %add3A_668 = arith.addi %add3A_5, %add3A_667 : vector<16xi32>
        tpu.vector_store_idx %arg44[%add3A_642, %add3A_668], %gather3A_659 : memref<50x256xf32, #tpu.memory_space<vmem>>[vector<16xi32>, vector<16xi32>], vector<16xf32>,
        %add3A_669 = arith.constant 64 : i32
        %add3A_670 = vector.broadcast %add3A_669 : i32 to vector<16xi32>
        %add3A_671 = arith.addi %add3A_5, %add3A_670 : vector<16xi32>
        tpu.vector_store_idx %arg44[%add3A_642, %add3A_671], %gather3A_661 : memref<50x256xf32, #tpu.memory_space<vmem>>[vector<16xi32>, vector<16xi32>], vector<16xf32>,
        %add3A_672 = arith.constant 128 : i32
        %add3A_673 = vector.broadcast %add3A_672 : i32 to vector<16xi32>
        %add3A_674 = arith.addi %add3A_5, %add3A_673 : vector<16xi32>
        tpu.vector_store_idx %arg44[%add3A_642, %add3A_674], %gather3A_663 : memref<50x256xf32, #tpu.memory_space<vmem>>[vector<16xi32>, vector<16xi32>], vector<16xf32>,
        %add3A_675 = arith.constant 192 : i32
        %add3A_676 = vector.broadcast %add3A_675 : i32 to vector<16xi32>
        %add3A_677 = arith.addi %add3A_5, %add3A_676 : vector<16xi32>
        tpu.vector_store_idx %arg44[%add3A_642, %add3A_677], %gather3A_665 : memref<50x256xf32, #tpu.memory_space<vmem>>[vector<16xi32>, vector<16xi32>], vector<16xf32>,
        %add3A_678 = arith.addi %mul3A_645, %add3A_8 : vector<16xi32>
        %gather3A_679 = tpu.vector_load_idx %arg40[%add3A_642, %add3A_678] : memref<50x128xf32, #tpu.memory_space<vmem>>[vector<16xi32>, vector<16xi32>], vector<16xf32>,
        %add3A_680 = arith.addi %mul3A_649, %add3A_8 : vector<16xi32>
        %gather3A_681 = tpu.vector_load_idx %arg41[%add3A_642, %add3A_680] : memref<50x128xf32, #tpu.memory_space<vmem>>[vector<16xi32>, vector<16xi32>], vector<16xf32>,
        %add3A_682 = arith.addi %mul3A_653, %add3A_8 : vector<16xi32>
        %gather3A_683 = tpu.vector_load_idx %arg42[%add3A_642, %add3A_682] : memref<50x128xf32, #tpu.memory_space<vmem>>[vector<16xi32>, vector<16xi32>], vector<16xf32>,
        %add3A_684 = arith.addi %mul3A_657, %add3A_8 : vector<16xi32>
        %gather3A_685 = tpu.vector_load_idx %arg43[%add3A_642, %add3A_684] : memref<50x128xf32, #tpu.memory_space<vmem>>[vector<16xi32>, vector<16xi32>], vector<16xf32>,
        %add3A_686 = arith.constant 0 : i32
        %add3A_687 = vector.broadcast %add3A_686 : i32 to vector<16xi32>
        %add3A_688 = arith.addi %add3A_8, %add3A_687 : vector<16xi32>
        tpu.vector_store_idx %arg44[%add3A_642, %add3A_688], %gather3A_679 : memref<50x256xf32, #tpu.memory_space<vmem>>[vector<16xi32>, vector<16xi32>], vector<16xf32>,
        %add3A_689 = arith.constant 64 : i32
        %add3A_690 = vector.broadcast %add3A_689 : i32 to vector<16xi32>
        %add3A_691 = arith.addi %add3A_8, %add3A_690 : vector<16xi32>
        tpu.vector_store_idx %arg44[%add3A_642, %add3A_691], %gather3A_681 : memref<50x256xf32, #tpu.memory_space<vmem>>[vector<16xi32>, vector<16xi32>], vector<16xf32>,
        %add3A_692 = arith.constant 128 : i32
        %add3A_693 = vector.broadcast %add3A_692 : i32 to vector<16xi32>
        %add3A_694 = arith.addi %add3A_8, %add3A_693 : vector<16xi32>
        tpu.vector_store_idx %arg44[%add3A_642, %add3A_694], %gather3A_683 : memref<50x256xf32, #tpu.memory_space<vmem>>[vector<16xi32>, vector<16xi32>], vector<16xf32>,
        %add3A_695 = arith.constant 192 : i32
        %add3A_696 = vector.broadcast %add3A_695 : i32 to vector<16xi32>
        %add3A_697 = arith.addi %add3A_8, %add3A_696 : vector<16xi32>
        tpu.vector_store_idx %arg44[%add3A_642, %add3A_697], %gather3A_685 : memref<50x256xf32, #tpu.memory_space<vmem>>[vector<16xi32>, vector<16xi32>], vector<16xf32>,
        %add3A_698 = arith.addi %mul3A_645, %add3A_11 : vector<16xi32>
        %gather3A_699 = tpu.vector_load_idx %arg40[%add3A_642, %add3A_698] : memref<50x128xf32, #tpu.memory_space<vmem>>[vector<16xi32>, vector<16xi32>], vector<16xf32>,
        %add3A_700 = arith.addi %mul3A_649, %add3A_11 : vector<16xi32>
        %gather3A_701 = tpu.vector_load_idx %arg41[%add3A_642, %add3A_700] : memref<50x128xf32, #tpu.memory_space<vmem>>[vector<16xi32>, vector<16xi32>], vector<16xf32>,
        %add3A_702 = arith.addi %mul3A_653, %add3A_11 : vector<16xi32>
        %gather3A_703 = tpu.vector_load_idx %arg42[%add3A_642, %add3A_702] : memref<50x128xf32, #tpu.memory_space<vmem>>[vector<16xi32>, vector<16xi32>], vector<16xf32>,
        %add3A_704 = arith.addi %mul3A_657, %add3A_11 : vector<16xi32>
        %gather3A_705 = tpu.vector_load_idx %arg43[%add3A_642, %add3A_704] : memref<50x128xf32, #tpu.memory_space<vmem>>[vector<16xi32>, vector<16xi32>], vector<16xf32>,
        %add3A_706 = arith.constant 0 : i32
        %add3A_707 = vector.broadcast %add3A_706 : i32 to vector<16xi32>
        %add3A_708 = arith.addi %add3A_11, %add3A_707 : vector<16xi32>
        tpu.vector_store_idx %arg44[%add3A_642, %add3A_708], %gather3A_699 : memref<50x256xf32, #tpu.memory_space<vmem>>[vector<16xi32>, vector<16xi32>], vector<16xf32>,
        %add3A_709 = arith.constant 64 : i32
        %add3A_710 = vector.broadcast %add3A_709 : i32 to vector<16xi32>
        %add3A_711 = arith.addi %add3A_11, %add3A_710 : vector<16xi32>
        tpu.vector_store_idx %arg44[%add3A_642, %add3A_711], %gather3A_701 : memref<50x256xf32, #tpu.memory_space<vmem>>[vector<16xi32>, vector<16xi32>], vector<16xf32>,
        %add3A_712 = arith.constant 128 : i32
        %add3A_713 = vector.broadcast %add3A_712 : i32 to vector<16xi32>
        %add3A_714 = arith.addi %add3A_11, %add3A_713 : vector<16xi32>
        tpu.vector_store_idx %arg44[%add3A_642, %add3A_714], %gather3A_703 : memref<50x256xf32, #tpu.memory_space<vmem>>[vector<16xi32>, vector<16xi32>], vector<16xf32>,
        %add3A_715 = arith.constant 192 : i32
        %add3A_716 = vector.broadcast %add3A_715 : i32 to vector<16xi32>
        %add3A_717 = arith.addi %add3A_11, %add3A_716 : vector<16xi32>
        tpu.vector_store_idx %arg44[%add3A_642, %add3A_717], %gather3A_705 : memref<50x256xf32, #tpu.memory_space<vmem>>[vector<16xi32>, vector<16xi32>], vector<16xf32>,
        %add3A_718 = arith.addi %mul3A_645, %add3A_14 : vector<16xi32>
        %gather3A_719 = tpu.vector_load_idx %arg40[%add3A_642, %add3A_718] : memref<50x128xf32, #tpu.memory_space<vmem>>[vector<16xi32>, vector<16xi32>], vector<16xf32>,
        %add3A_720 = arith.addi %mul3A_649, %add3A_14 : vector<16xi32>
        %gather3A_721 = tpu.vector_load_idx %arg41[%add3A_642, %add3A_720] : memref<50x128xf32, #tpu.memory_space<vmem>>[vector<16xi32>, vector<16xi32>], vector<16xf32>,
        %add3A_722 = arith.addi %mul3A_653, %add3A_14 : vector<16xi32>
        %gather3A_723 = tpu.vector_load_idx %arg42[%add3A_642, %add3A_722] : memref<50x128xf32, #tpu.memory_space<vmem>>[vector<16xi32>, vector<16xi32>], vector<16xf32>,
        %add3A_724 = arith.addi %mul3A_657, %add3A_14 : vector<16xi32>
        %gather3A_725 = tpu.vector_load_idx %arg43[%add3A_642, %add3A_724] : memref<50x128xf32, #tpu.memory_space<vmem>>[vector<16xi32>, vector<16xi32>], vector<16xf32>,
        %add3A_726 = arith.constant 0 : i32
        %add3A_727 = vector.broadcast %add3A_726 : i32 to vector<16xi32>
        %add3A_728 = arith.addi %add3A_14, %add3A_727 : vector<16xi32>
        tpu.vector_store_idx %arg44[%add3A_642, %add3A_728], %gather3A_719 : memref<50x256xf32, #tpu.memory_space<vmem>>[vector<16xi32>, vector<16xi32>], vector<16xf32>,
        %add3A_729 = arith.constant 64 : i32
        %add3A_730 = vector.broadcast %add3A_729 : i32 to vector<16xi32>
        %add3A_731 = arith.addi %add3A_14, %add3A_730 : vector<16xi32>
        tpu.vector_store_idx %arg44[%add3A_642, %add3A_731], %gather3A_721 : memref<50x256xf32, #tpu.memory_space<vmem>>[vector<16xi32>, vector<16xi32>], vector<16xf32>,
        %add3A_732 = arith.constant 128 : i32
        %add3A_733 = vector.broadcast %add3A_732 : i32 to vector<16xi32>
        %add3A_734 = arith.addi %add3A_14, %add3A_733 : vector<16xi32>
        tpu.vector_store_idx %arg44[%add3A_642, %add3A_734], %gather3A_723 : memref<50x256xf32, #tpu.memory_space<vmem>>[vector<16xi32>, vector<16xi32>], vector<16xf32>,
        %add3A_735 = arith.constant 192 : i32
        %add3A_736 = vector.broadcast %add3A_735 : i32 to vector<16xi32>
        %add3A_737 = arith.addi %add3A_14, %add3A_736 : vector<16xi32>
        tpu.vector_store_idx %arg44[%add3A_642, %add3A_737], %gather3A_725 : memref<50x256xf32, #tpu.memory_space<vmem>>[vector<16xi32>, vector<16xi32>], vector<16xf32>,
        %scan3A_738 = arith.constant 0 : i32
        scf.yield %scan3A_738 : i32
      }
      %scan3A_625 = arith.constant 50 : i32
      %add3A_626 = arith.addi %mul3A_2, %add3A_90 : i32
      %dma_start3A_627 = arith.constant 0 : i32
      %dma_start3A_628 = arith.constant 0 : i32
      %dma_start3A_629 = tpu.memref_slice %arg10[%add3A_626, %dma_start3A_627, %dma_start3A_628] : memref<4096x50x256xf32, #tpu.memory_space<hbm>> -> memref<1x50x256xf32, #tpu.memory_space<hbm>>
      %dma_start3A_630 = tpu.memref_squeeze %dma_start3A_629 : memref<1x50x256xf32, #tpu.memory_space<hbm>> -> memref<50x256xf32, #tpu.memory_space<hbm>>
      %dma_start3A_631 = arith.constant 0 : i32
      %dma_start3A_632 = arith.constant 0 : i32
      %dma_start3A_633 = tpu.memref_slice %arg10[%add3A_626, %dma_start3A_631, %dma_start3A_632] : memref<4096x50x256xf32, #tpu.memory_space<hbm>> -> memref<1x50x256xf32, #tpu.memory_space<hbm>>
      %dma_start3A_634 = tpu.memref_squeeze %dma_start3A_633 : memref<1x50x256xf32, #tpu.memory_space<hbm>> -> memref<50x256xf32, #tpu.memory_space<hbm>>
      tpu.enqueue_dma source(%arg44 : memref<50x256xf32, #tpu.memory_space<vmem>>) target(%dma_start3A_634 : memref<50x256xf32, #tpu.memory_space<hbm>>) target_semaphore(%arg50 : memref<!tpu.dma_semaphore, #tpu.memory_space<semaphore_mem>>)
      %scan3A_635 = arith.constant 0 : i32
      scf.yield %scan3A_635 : i32
    }
    %scan3A_67 = arith.constant 64 : i32
    %dma_wait3A = arith.constant 0 : i32
    %dma_wait3A_68 = arith.constant 0 : i32
    %dma_wait3A_69 = tpu.memref_slice %arg10[%mul3A_2, %dma_wait3A, %dma_wait3A_68] : memref<4096x50x256xf32, #tpu.memory_space<hbm>> -> memref<1x50x256xf32, #tpu.memory_space<hbm>>
    %dma_wait3A_70 = tpu.memref_squeeze %dma_wait3A_69 : memref<1x50x256xf32, #tpu.memory_space<hbm>> -> memref<50x256xf32, #tpu.memory_space<hbm>>
    %dma_wait3A_71 = arith.constant 0 : i32
    %dma_wait3A_72 = arith.constant 0 : i32
    %dma_wait3A_73 = tpu.memref_slice %arg10[%mul3A_2, %dma_wait3A_71, %dma_wait3A_72] : memref<4096x50x256xf32, #tpu.memory_space<hbm>> -> memref<1x50x256xf32, #tpu.memory_space<hbm>>
    %dma_wait3A_74 = tpu.memref_squeeze %dma_wait3A_73 : memref<1x50x256xf32, #tpu.memory_space<hbm>> -> memref<50x256xf32, #tpu.memory_space<hbm>>
    tpu.wait_dma2 semaphore(%arg49 : memref<!tpu.dma_semaphore, #tpu.memory_space<semaphore_mem>>) src(%dma_wait3A_74 : memref<50x256xf32, #tpu.memory_space<hbm>>) dst(%arg27 : memref<50x256xf32, #tpu.memory_space<vmem>>)
    %dma_wait3A_75 = arith.constant 0 : i32
    %dma_wait3A_76 = arith.constant 0 : i32
    %dma_wait3A_77 = tpu.memref_slice %arg10[%mul3A_2, %dma_wait3A_75, %dma_wait3A_76] : memref<4096x50x256xf32, #tpu.memory_space<hbm>> -> memref<1x50x256xf32, #tpu.memory_space<hbm>>
    %dma_wait3A_78 = tpu.memref_squeeze %dma_wait3A_77 : memref<1x50x256xf32, #tpu.memory_space<hbm>> -> memref<50x256xf32, #tpu.memory_space<hbm>>
    %dma_wait3A_79 = arith.constant 0 : i32
    %dma_wait3A_80 = arith.constant 0 : i32
    %dma_wait3A_81 = tpu.memref_slice %arg10[%mul3A_2, %dma_wait3A_79, %dma_wait3A_80] : memref<4096x50x256xf32, #tpu.memory_space<hbm>> -> memref<1x50x256xf32, #tpu.memory_space<hbm>>
    %dma_wait3A_82 = tpu.memref_squeeze %dma_wait3A_81 : memref<1x50x256xf32, #tpu.memory_space<hbm>> -> memref<50x256xf32, #tpu.memory_space<hbm>>
    tpu.wait_dma2 semaphore(%arg50 : memref<!tpu.dma_semaphore, #tpu.memory_space<semaphore_mem>>) src(%dma_wait3A_82 : memref<50x256xf32, #tpu.memory_space<hbm>>) dst(%arg44 : memref<50x256xf32, #tpu.memory_space<vmem>>)
    return
  }
}

</mosaic_0001>

<sc_bundles>
// kernel: kernel.3.cloned.1.call-start
scs
__scs_entry_jumppad:
0x0: {  	(pc) =	sbr.rel $0x88, $3  }
0x1: {  	(tag) =	ssettag $0x0;
	lr =	simm.s32 $0x1  }
0x2: {  	[smem:$0x3F99] =	sst lr;
	_ =	strace $0xD0000000  }
0x3: {  	_ = 	snop  }
0x4: {  	_ = 	snop  }
0x5: {  	_ = 	snop  }
0x6: {  	_ = 	snop  }
0x7: {  	_ = 	snop  }
__scs_overlays_trampoline_lowered:
0x8: {  	[smem:$0x3FA8] =	sst s0  }
0x9: {  	[smem:$0x3FA9] =	sst s1  }
0xa: {  	[smem:$0x3FAA] =	sst s2  }
0xb: {  	[smem:$0x3FAB] =	sst s3  }
0xc: {  	[smem:$0x3FAC] =	sst s4  }
0xd: {  	[smem:$0x3FAD] =	sst s5  }
0xe: {  	[smem:$0x3FAE] =	sst s6  }
0xf: {  	[smem:$0x3FAF] =	sst s7  }
0x10: {  	[smem:$0x3FB0] =	sst s8  }
0x11: {  	[smem:$0x3FB1] =	sst s9;
	s0 =	simm.s32 @!p0 $0x0  }
0x12: {  	s1 =	sld [smem:$0x3F97];
	s0 =	simm.s32 @p0 $0x1  }
0x13: {  	[smem:$0x3FB2] =	sst s0;
	s0 =	simm.s32 @!p1 $0x0  }
0x14: {  	s2 =	sld [smem:$0x3F96];
	s0 =	simm.s32 @p1 $0x1  }
0x15: {  	[smem:$0x3FB3] =	sst s0;
	s0 =	simm.s32 @!p2 $0x0  }
0x16: {  	s3 =	sld [smem:$0x3FDB];
	s0 =	simm.s32 @p2 $0x1  }
0x17: {  	s4 =	simm.s32 $0x1BF5;
	[smem:$0x3FB5] =	sst s0  }
0x18: {  	s0 =	sld [smem:$0x3F98];
	_ =	swait.ge [sflag:s4], $0x0  }
0x19: {  	s7 =	sld [smem:$0x3F99]  }
0x1a: {  	s8 =	sadd.s32 $0xFFFFE003, lr  }
0x1b: {  	s9 =	sadd.s32 $0xFFFFFEF7, lr;
	s5 =	simm.s32 $0xFFFFFFFF;
	p2 =	slt.u32 s8, $0xFFFFF086  }
0x1c: {  	p1 =	slt.u32 s9, $0xF7A;
	s5 =	simm.s32 @!p2 $0x0  }
0x1d: {  	s5 =	simm.s32 @p1 $0x1;
	p0 =	seq.s32 s7, s2  }
0x1e: {  	s7 =	smul.u32 @!p0 $0xF7A, s2;
	p2 =	seq.s32 @!p0 s5, $0x0  }
0x1f: {  	s9 =	smul.u32 $0xF7A, s1;
	s8 =	simm.s32 @!p0 $0x1BF5;
	p2 =	por !p2, p0  }
0x20: {  	[sflag:s8] =	ssyncset.s32 @!p0 $0xFFFFF086;
	s6 =	sadd.s32 @!p0 s3, s7;
	s7 =	simm.s32 @!p0 $0x108  }
0x21: {  	s3 =	sadd.s32 s3, s9;
	s6 =	sadd.s32 @!p0 $0x88, s6;
	s7 =	simm.s32 @p2 $0x1082  }
0x22: {  	[simem:s7], [sflag:s8] =	dma.local @!p0 [hbm:s6], $0xF7A  }
0x23: {  	s9 =	sor.u32 $0xD0000000, s2;
	s6 =	simm.s32 $0x108;
	_ =	swait.ge @!p0 [sflag:s8], $0x0  }
0x24: {  	s3 =	sadd.s32 $0x88, s3;
	s6 =	simm.s32 @!p1 $0x1082;
	[sflag:s4] =	ssyncset.s32 $0xFFFFF086  }
0x25: {  	[simem:s6], [sflag:s4] =	dma.local [hbm:s3], $0xF7A  }
0x26: {  	[smem:$0x3F99] =	sst s1;
	(tag) =	ssettag s2;
	_ =	strace s9  }
0x27: {  	s1 =	sld [smem:$0x3FA9]  }
0x28: {  	s2 =	sld [smem:$0x3FAA]  }
0x29: {  	s4 =	sld [smem:$0x3FAC]  }
0x2a: {  	p0 =	seq.s32 s5, $0x0;
	s5 =	sld [smem:$0x3FAD]  }
0x2b: {  	s6 =	sld [smem:$0x3FAE]  }
0x2c: {  	s7 =	sld [smem:$0x3FAF]  }
0x2d: {  	s3 =	simm.s32 $0x108;
	s8 =	sld [smem:$0x3FB0]  }
0x2e: {  	s3 =	simm.s32 @!p0 $0x1082;
	s9 =	sld [smem:$0x3FB1]  }
0x2f: {  	lr =	sadd.s32 s0, s3;
	s0 =	sld [smem:$0x3FA8]  }
0x30: {  	s3 =	sld [smem:$0x3FAB]  }
0x31: {  	[smem:$0x3FB4] =	sst s10  }
0x32: {  	s10 =	sld [smem:$0x3FB2];
	_ =	sdelay $0x3  }
0x33: {  	p0 =	seq.s32 s10, $0x1;
	s10 =	sld [smem:$0x3FB4];
	_ =	sdelay $0x3  }
0x34: {  	[smem:$0x3FB4] =	sst s10  }
0x35: {  	s10 =	sld [smem:$0x3FB3];
	_ =	sdelay $0x3  }
0x36: {  	p1 =	seq.s32 s10, $0x1;
	s10 =	sld [smem:$0x3FB4];
	_ =	sdelay $0x3  }
0x37: {  	[smem:$0x3FB4] =	sst s10  }
0x38: {  	s10 =	sld [smem:$0x3FB5]  }
0x39: {  	_ = 	snop;
	(pc) =	sbr.ind lr, $3  }
0x3a: {  	_ = 	snop  }
0x3b: {  	_ = 	snop  }
0x3c: {  	p2 =	seq.s32 s10, $0x1;
	s10 =	sld [smem:$0x3FB4]  }
0x3d: {  	_ =	shalt  }
0x3e: {  	_ =	shalt  }
0x3f: {  	_ =	shalt  }
0x40: {  	_ =	shalt  }
0x41: {  	_ =	shalt  }
0x42: {  	_ =	shalt  }
0x43: {  	_ =	shalt  }
0x44: {  	_ =	shalt  }
0x45: {  	_ =	shalt  }
0x46: {  	_ =	shalt  }
0x47: {  	_ =	shalt  }
0x48: {  	_ =	shalt  }
0x49: {  	_ =	shalt  }
0x4a: {  	_ =	shalt  }
0x4b: {  	_ =	shalt  }
0x4c: {  	_ =	shalt  }
0x4d: {  	_ =	shalt  }
0x4e: {  	_ =	shalt  }
0x4f: {  	_ =	shalt  }
0x50: {  	_ =	shalt  }
0x51: {  	_ =	shalt  }
0x52: {  	_ =	shalt  }
0x53: {  	_ =	shalt  }
0x54: {  	_ =	shalt  }
0x55: {  	_ =	shalt  }
0x56: {  	_ =	shalt  }
0x57: {  	_ =	shalt  }
0x58: {  	_ =	shalt  }
0x59: {  	_ =	shalt  }
0x5a: {  	_ =	shalt  }
0x5b: {  	_ =	shalt  }
0x5c: {  	_ =	shalt  }
0x5d: {  	_ =	shalt  }
0x5e: {  	_ =	shalt  }
0x5f: {  	_ =	shalt  }
0x60: {  	_ =	shalt  }
0x61: {  	_ =	shalt  }
0x62: {  	_ =	shalt  }
0x63: {  	_ =	shalt  }
0x64: {  	_ =	shalt  }
0x65: {  	_ =	shalt  }
0x66: {  	_ =	shalt  }
0x67: {  	_ =	shalt  }
0x68: {  	_ =	shalt  }
0x69: {  	_ =	shalt  }
0x6a: {  	_ =	shalt  }
0x6b: {  	_ =	shalt  }
0x6c: {  	_ =	shalt  }
0x6d: {  	_ =	shalt  }
0x6e: {  	_ =	shalt  }
0x6f: {  	_ =	shalt  }
0x70: {  	_ =	shalt  }
0x71: {  	_ =	shalt  }
0x72: {  	_ =	shalt  }
0x73: {  	_ =	shalt  }
0x74: {  	_ =	shalt  }
0x75: {  	_ =	shalt  }
0x76: {  	_ =	shalt  }
0x77: {  	_ =	shalt  }
0x78: {  	_ =	shalt  }
0x79: {  	_ =	shalt  }
0x7a: {  	_ =	shalt  }
0x7b: {  	_ =	shalt  }
0x7c: {  	_ =	shalt  }
0x7d: {  	_ =	shalt  }
0x7e: {  	_ =	shalt  }
0x7f: {  	_ =	shalt  }
0x80: {  	_ =	shalt  }
0x81: {  	_ =	shalt  }
0x82: {  	_ =	shalt  }
0x83: {  	_ =	shalt  }
0x84: {  	_ =	shalt  }
0x85: {  	_ =	shalt  }
0x86: {  	_ =	shalt  }
0x87: {  	_ =	shalt  }
.Lfunc_end0:
.L_simem_size_0:
called_computation_lowered:
.L_overlay_start_0:
0x88: {  	s2 =	sld [smem:$0x3FD9]  }
0x89: {  	s3 =	sld [smem:$0x3FFE];
	_ =	sdelay $0x1  }
0x8a: {  	s1 =	srdreg.scid  }
0x8b: {  	s0 =	sand.u32 $0x1, s1  }
0x8c: {  	s17 =	sshll.u32 s0, $0xA;
	s2 =	sadd.s32 s3, s2  }
0x8d: {  	s2 =	sadd.s32 s2, s17  }
0x8e: {  	[smem:$0x3FC0] =	sst s2  }
0x8f: {  	_ = 	snop  }
0x90: {  	s2 =	sld [smem:$0x3FD0];
	(tm) =	ssettm $0x1  }
0x91: {  	s18 =	sld [smem:$0x3FFB];
	_ =	sdelay $0x3  }
0x92: {  	_ =	strace s18  }
0x93: {  	s3 =	sld [smem:$0x3FFC];
	_ =	sdelay $0x3  }
0x94: {  	_ =	strace s3  }
0x95: {  	s3 =	sld [smem:$0x3FFD];
	_ =	sdelay $0x3  }
0x96: {  	_ =	strace s3  }
0x97: {  	_ =	strace $0x8FFFFFFF  }
0x98: {  	s19 =	sld [smem:$0x3FDB];
	_ =	sdelay $0x1  }
0x99: {  	s4 =	simm.s32 $_scs_section_size  }
0x9a: {  	s5 =	simm.s32 $_size__tile_overlayer_lowered;
	s6 =	simm.s32 $_tile_overlayer_lowered  }
0x9b: {  	s22 =	simm.s32 $0x1BFF;
	s21 =	sshll.u32 s6, $0x1;
	s3 =	sadd.s32 s4, s19  }
0x9c: {  	s7 =	simm.s32 $0x0;
	s20 =	sshll.u32 s5, $0x1;
	s5 =	sadd.s32 s21, s3  }
0x9d: {  	[timem:s7], [sflag:s22] =	dma.local [hbm:s5], s20  }
0x9e: {  	_ =	swait.ge [sflag:s22], s20  }
0x9f: {  	s4 =	ssub.s32 $0x0, s20;
	[sflag:s22] =	ssyncset.done $0x0  }
0xa0: {  	[sflag:s22] =	ssyncadd.s32 s4;
	_ =	sdelay $0x1  }
0xa1: {  	s23 =	simm.s32 $0x1B8B  }
0xa2: {  	_ =	swait.ge [sflag:s23], $0x1  }
0xa3: {  	[sflag:s23] =	ssyncset.done $0x0  }
0xa4: {  	s25 =	simm.s32 $0x1B8E;
	s24 =	sld [smem:$0x3FFE];
	[sflag:s23] =	ssyncadd.s32 $0xFFFFFFFF  }
0xa5: {  	s26 =	simm.s32 $execute0_lowered;
	[smem:$0x3FD2] =	sst s25  }
0xa6: {  	s5 =	sshll.u32 s26, $0x1;
	_ =	strace $0x80000046;
	[dreg:$0x1] =	wrdreg $0xFFFFFFFF  }
0xa7: {  	s28 =	simm.s32 $_size_execute0_lowered;
	s3 =	sadd.s32 s3, s5;
	[dreg:$0x0] =	wrdreg $0x0  }
0xa8: {  	s5 =	sshll.u32 s28, $0x1;
	[dreg:$0x2] =	wrdreg s3  }
0xa9: {  	[dreg:$0x3] =	wrdreg s5  }
0xaa: {  	[dreg:$0x4] =	wrdreg $0xC0  }
0xab: {  	_ =	task [dreg:s7], $0x5FFFF  }
0xac: {  	[dreg:$0x1] =	wrdreg $0xFFFFFFFF  }
0xad: {  	[dreg:$0x0] =	wrdreg $0x60  }
0xae: {  	[dreg:$0x2] =	wrdreg s2  }
0xaf: {  	[dreg:$0x3] =	wrdreg s24  }
0xb0: {  	[dreg:$0x4] =	wrdreg $0x9  }
0xb1: {  	_ =	task.clear_ibuf [dreg:s7], $0x5FFFF;
	_ =	strace $0x90000046  }
0xb2: {  	s29 =	simm.s32 $0x9;
	_ =	strace $0x80000048  }
0xb3: {  	_ =	swait.ge [sflag:s29], $0x1  }
0xb4: {  	[sflag:s29] =	ssyncadd.s32 $0xFFFFFFFF  }
0xb5: {  	_ =	strace $0x90000048  }
0xb6: {  	_ =	sfence  }
0xb7: {  	s30 =	sld [smem:$0x0];
	_ =	sdelay $0x2  }
0xb8: {  	s31 =	sshll.u32 s1, $0xD;
	s1 =	sshrl.u32 s1, $0x2  }
0xb9: {  	s3 =	sand.u32 $0x4000, s31;
	s1 =	sadd.s32 s1, s30  }
0xba: {  	s0 =	sor.u32 s3, s0;
	s1 =	sshll.u32 s1, $0x11  }
0xbb: {  	s0 =	sor.u32 s1, s0  }
0xbc: {  	s0 =	sadd.s32 $0x8F2B, s0  }
0xbd: {  	[sflag:s0] =	ssyncadd.remote.s32 $0x1  }
0xbe: {  	_ =	sfence.sel $0xFFFF  }
0xbf: {  	[dreg:$0x0] =	wrdreg $0xFFFFFFFF;
	(pc) =	sbr.abs _section_cstart, $3  }
0xc0: {  	[dreg:$0x1] =	wrdreg $0xFFFFFFFF  }
0xc1: {  	_ =	task.clear_ibuf [dreg:s7], $0x2FFFF;
	_ =	strace $0x9FFFFFFF  }
0xc2: {  	(tm) =	ssettm $0x7FFFFFFF  }
0xc3: {  	_ =	shalt  }
tec
execute0_lowered:
.L_overlay_start_1:
0x0: {  	(tag) =	ssettag $0x1  }
0x1: {  	s5 =	rddreg [dreg:$0x0]  }
0x2: {  	s0 =	rddreg [dreg:$0x1]  }
0x3: {  	s9 =	simm.s32 $0x0;
	s12 =	srdreg.scid;
	s3 =	stileid.u32  }
0x4: {  	s28 =	simm.s32 $0x2200;
	[smem:$0x7FF] =	sst s9;
	s1 =	sadd.s32 $0xF43600, s0  }
0x5: {  	s2 =	sadd.s32 $0x1200, s0;
	_ =	strace $0x80000047;
	[dreg:$0x6] =	wrdreg s1  }
0x6: {  	s30 =	simm.s32 $0x3E00;
	s13 =	sadd.s32 $0xDC800, s0;
	[dreg:$0x7] =	wrdreg s2  }
0x7: {  	s29 =	simm.s32 $0x400;
	s4 =	sadd.s32 $0xDE800, s0;
	[dreg:$0x8] =	wrdreg s13  }
0x8: {  	s31 =	simm.s32 $0x480;
	s6 =	sadd.s32 $0xD4800, s0;
	[dreg:$0x9] =	wrdreg s4  }
0x9: {  	s7 =	sadd.s32 $0xC4800, s0;
	s8 =	sadd.s32 $0xCC800, s0;
	[dreg:$0x3] =	wrdreg s6  }
0xa: {  	s3 =	sshll.u32 s3, $0x1;
	s10 =	sadd.s32 $0xE0800, s0;
	[dreg:$0x4] =	wrdreg s7  }
0xb: {  	s1 =	sand.u32 $0x1, s12;
	[dreg:$0x5] =	wrdreg s8;
	s13 =	simm.s32 $0x5A00  }
0xc: {  	[dreg:$0xa] =	wrdreg s10;
	s14 =	ssub.s32 $0x2, s1;
	s1 =	sor.u32 s1, s3  }
0xd: {  	s3 =	simm.s32 $0x12400;
	s17 =	sshll.u32 s1, $0xA;
	s11 =	sshll.u32 s1, $0x7  }
0xe: {  	s15 =	sshrl.u32 s14, $0x1;
	s18 =	sadd.s32 s5, s17;
	[dreg:$0xb] =	wrdreg s11  }
0xf: {  	s16 =	ssub.s32 s14, s15;
	s19 =	sadd.s32 s6, s17;
	[dreg:$0xc] =	wrdreg s18  }
0x10: {  	s20 =	sadd.s32 s7, s17;
	s21 =	sadd.s32 s8, s17;
	[dreg:$0xd] =	wrdreg s19  }
0x11: {  	s22 =	sor.u32 $0x8, s17;
	s25 =	sor.u32 $0x2, s11;
	[dreg:$0xe] =	wrdreg s20  }
0x12: {  	s26 =	sor.u32 $0x3, s11;
	s15 =	simm.s32 $0x500;
	[dreg:$0xf] =	wrdreg s21  }
0x13: {  	s17 =	simm.s32 $0x580;
	s2 =	sadd.s32 s5, s22;
	[dreg:$0x14] =	wrdreg s25  }
0x14: {  	s23 =	sadd.s32 s6, s22;
	s24 =	sadd.s32 s7, s22;
	[dreg:$0x15] =	wrdreg s26  }
0x15: {  	v0 =	vlaneseq.u32;
	s1 =	sadd.s32 s8, s22;
	s0 =	smax.u32 s16, $0x1;
	[dreg:$0x10] =	wrdreg s2  }
0x16: {  	v1 =	vor.u32 $0x40, v0;
	v2 =	vor.u32 $0x400, v0;
	v3 =	vor.u32 $0x440, v0;
	s25 =	simm.s32 $0x600;
	s16 =	simm.s32 $0xB400;
	[dreg:$0x11] =	wrdreg s23  }
0x17: {  	v4 =	vor.u32 $0x10, v0;
	v5 =	vor.u32 $0x50, v0;
	v6 =	vor.u32 $0x410, v0;
	s18 =	simm.s32 $0xD000;
	s20 =	simm.s32 $0xEC00;
	[dreg:$0x12] =	wrdreg s24  }
0x18: {  	v7 =	vor.u32 $0x450, v0;
	v8 =	vor.u32 $0x20, v0;
	v9 =	vor.u32 $0x60, v0;
	s19 =	simm.s32 $0x7600;
	s21 =	simm.s32 $0xB280;
	[dreg:$0x13] =	wrdreg s1  }
0x19: {  	v10 =	vor.u32 $0x420, v0;
	v11 =	vor.u32 $0x460, v0;
	v12 =	vor.u32 $0x30, v0;
	s22 =	simm.s32 $0xB300;
	s5 =	simm.s32 $0x0;
	[dreg:$0x16] =	wrdreg s0  }
0x1a: {  	v13 =	vor.u32 $0x70, v0;
	v14 =	vor.u32 $0x430, v0;
	v15 =	vor.u32 $0x470, v0;
	s24 =	simm.s32 $0x10800;
	s1 =	simm.s32 $0xB200;
	s2 =	simm.s32 $0xB380  }
.LBB2_1:
0x1b: {  	[dreg:$0x17] =	wrdreg s5  }
0x1c: {  	s0 =	rddreg [dreg:$0xc]  }
0x1d: {  	[tilespmem:s9], [sflag:$0x1] =	stream.linear.gather [hbm4b:s0+s9], $0x40, $0x38;
	[tilespmem:$0x15C00] =	vst v63  }
0x1e: {  	s14 =	rddreg [dreg:$0xd];
	s4 =	simm.s32 $0x80  }
0x1f: {  	[tilespmem:s4], [sflag:$0x1] =	stream.linear.gather [hbm4b:s14+s9], $0x40, $0x38;
	[tilespmem:$0x15C00] =	vst v63  }
0x20: {  	s23 =	rddreg [dreg:$0xe];
	s26 =	simm.s32 $0x100  }
0x21: {  	[tilespmem:s26], [sflag:$0x1] =	stream.linear.gather [hbm4b:s23+s9], $0x40, $0x38;
	[tilespmem:$0x15C00] =	vst v63  }
0x22: {  	s5 =	rddreg [dreg:$0xf];
	s6 =	simm.s32 $0x180  }
0x23: {  	[tilespmem:s6], [sflag:$0x1] =	stream.linear.gather [hbm4b:s5+s9], $0x40, $0x38;
	[tilespmem:$0x15C00] =	vst v63  }
0x24: {  	s7 =	rddreg [dreg:$0x10];
	s8 =	simm.s32 $0xAE00  }
0x25: {  	[tilespmem:s8], [sflag:$0x2] =	stream.linear.gather [hbm4b:s7+s9], $0x40, $0x38;
	[tilespmem:$0x15C00] =	vst v63  }
0x26: {  	s10 =	rddreg [dreg:$0x11];
	s11 =	simm.s32 $0xAE80  }
0x27: {  	[tilespmem:s11], [sflag:$0x2] =	stream.linear.gather [hbm4b:s10+s9], $0x40, $0x38;
	[tilespmem:$0x15C00] =	vst v63  }
0x28: {  	s12 =	rddreg [dreg:$0x12];
	s14 =	simm.s32 $0xAF00  }
0x29: {  	[tilespmem:s14], [sflag:$0x2] =	stream.linear.gather [hbm4b:s12+s9], $0x40, $0x38;
	[tilespmem:$0x15C00] =	vst v63  }
0x2a: {  	s4 =	simm.s32 $0x0;
	s23 =	rddreg [dreg:$0x13];
	s26 =	simm.s32 $0xAF80  }
0x2b: {  	[tilespmem:s26], [sflag:$0x2] =	stream.linear.gather [hbm4b:s23+s9], $0x40, $0x38;
	[tilespmem:$0x15C00] =	vst v63  }
.LBB2_2:
0x2c: {  	[dreg:$0x19] =	wrdreg s4;
	s0 =	simm.s32 $0x1  }
0x2d: {  	_ =	swait.ge [sflag:s0], $0x40  }
0x2e: {  	[sflag:s0] =	ssyncset.done $0x0  }
0x2f: {  	[sflag:s0] =	ssyncadd.s32 $0xFFFFFFC0  }
0x30: {  	_ =	swait.ge [sflag:s0], $0x40  }
0x31: {  	[sflag:s0] =	ssyncset.done $0x0  }
0x32: {  	[sflag:s0] =	ssyncadd.s32 $0xFFFFFFC0  }
0x33: {  	_ =	swait.ge [sflag:s0], $0x40  }
0x34: {  	[sflag:s0] =	ssyncset.done $0x0  }
0x35: {  	[sflag:s0] =	ssyncadd.s32 $0xFFFFFFC0  }
0x36: {  	_ =	swait.ge [sflag:s0], $0x40  }
0x37: {  	[sflag:s0] =	ssyncset.done $0x0  }
0x38: {  	[sflag:s0] =	ssyncadd.s32 $0xFFFFFFC0  }
0x39: {  	v16 =	vld [tilespmem:$0x0];
	_ =	sdelay $0x1  }
0x3a: {  	v17 =	vld [tilespmem:$0x10];
	_ =	sdelay $0x1  }
0x3b: {  	v18 =	vld [tilespmem:$0x20]  }
0x3c: {  	v19 =	vshra.s32 v16, $0x1  }
0x3d: {  	v16 =	vand.u32 $0x1, v16;
	[tilespmem:$0x200] =	vst v19;
	v19 =	vld [tilespmem:$0x30]  }
0x3e: {  	[tilespmem:$0x400] =	vst v16;
	v16 =	vshra.s32 v17, $0x1  }
0x3f: {  	[tilespmem:$0x210] =	vst v16;
	v16 =	vand.u32 $0x1, v17;
	v17 =	vld [tilespmem:$0x80]  }
0x40: {  	[tilespmem:$0x410] =	vst v16;
	v16 =	vshra.s32 v18, $0x1  }
0x41: {  	[tilespmem:$0x220] =	vst v16;
	v16 =	vand.u32 $0x1, v18;
	v18 =	vld [tilespmem:$0x90]  }
0x42: {  	[tilespmem:$0x420] =	vst v16;
	v16 =	vshra.s32 v19, $0x1  }
0x43: {  	[tilespmem:$0x230] =	vst v16;
	v16 =	vand.u32 $0x1, v19;
	v19 =	vld [tilespmem:$0xA0]  }
0x44: {  	[tilespmem:$0x430] =	vst v16;
	v16 =	vshra.s32 v17, $0x1  }
0x45: {  	[tilespmem:$0x280] =	vst v16;
	v16 =	vand.u32 $0x1, v17;
	v17 =	vld [tilespmem:$0xB0]  }
0x46: {  	[tilespmem:$0x480] =	vst v16;
	v16 =	vshra.s32 v18, $0x1  }
0x47: {  	[tilespmem:$0x290] =	vst v16;
	v16 =	vand.u32 $0x1, v18;
	v18 =	vld [tilespmem:$0x100]  }
0x48: {  	[tilespmem:$0x490] =	vst v16;
	v16 =	vshra.s32 v19, $0x1  }
0x49: {  	[tilespmem:$0x2A0] =	vst v16;
	v16 =	vand.u32 $0x1, v19;
	v19 =	vld [tilespmem:$0x110]  }
0x4a: {  	[tilespmem:$0x4A0] =	vst v16;
	v16 =	vshra.s32 v17, $0x1  }
0x4b: {  	[tilespmem:$0x2B0] =	vst v16;
	v16 =	vand.u32 $0x1, v17;
	v17 =	vld [tilespmem:$0x120]  }
0x4c: {  	[tilespmem:$0x4B0] =	vst v16;
	v16 =	vshra.s32 v18, $0x1  }
0x4d: {  	[tilespmem:$0x300] =	vst v16;
	v16 =	vand.u32 $0x1, v18;
	v18 =	vld [tilespmem:$0x130]  }
0x4e: {  	[tilespmem:$0x500] =	vst v16;
	v16 =	vshra.s32 v19, $0x1  }
0x4f: {  	[tilespmem:$0x310] =	vst v16;
	v16 =	vand.u32 $0x1, v19;
	v19 =	vld [tilespmem:$0x180]  }
0x50: {  	[tilespmem:$0x510] =	vst v16;
	v16 =	vshra.s32 v17, $0x1  }
0x51: {  	[tilespmem:$0x320] =	vst v16;
	v16 =	vand.u32 $0x1, v17;
	v17 =	vld [tilespmem:$0x190]  }
0x52: {  	[tilespmem:$0x520] =	vst v16;
	v16 =	vshra.s32 v18, $0x1  }
0x53: {  	[tilespmem:$0x330] =	vst v16;
	v16 =	vand.u32 $0x1, v18;
	v18 =	vld [tilespmem:$0x1A0]  }
0x54: {  	[tilespmem:$0x530] =	vst v16;
	v16 =	vshra.s32 v19, $0x1  }
0x55: {  	[tilespmem:$0x380] =	vst v16;
	v16 =	vand.u32 $0x1, v19;
	v19 =	vld [tilespmem:$0x1B0]  }
0x56: {  	[tilespmem:$0x580] =	vst v16;
	v16 =	vshra.s32 v17, $0x1  }
0x57: {  	[tilespmem:$0x390] =	vst v16;
	v16 =	vand.u32 $0x1, v17  }
0x58: {  	s5 =	sshll.u32 s4, $0x1;
	p0 =	seq.s32 s4, $0x3F;
	s0 =	rddreg [dreg:$0x14];
	[tilespmem:$0x590] =	vst v16;
	v16 =	vshra.s32 v18, $0x1  }
0x59: {  	s7 =	sadd.s32 @!p0 s5, s0;
	[tilespmem:$0x3A0] =	vst v16;
	v16 =	vand.u32 $0x1, v18  }
0x5a: {  	s7 =	sshll.u32 @!p0 s7, $0x3;
	[tilespmem:$0x5A0] =	vst v16;
	v16 =	vshra.s32 v19, $0x1  }
0x5b: {  	s11 =	rddreg [dreg:$0x0];
	s8 =	sand.u32 @!p0 $0x1FFFFFF0, s7;
	[tilespmem:$0x3B0] =	vst v16;
	v16 =	vand.u32 $0x1, v19  }
0x5c: {  	s12 =	rddreg [dreg:$0x3];
	s7 =	simm.s32 @!p0 $0x0;
	s9 =	sadd.s32 @!p0 s11, s8;
	[tilespmem:$0x5B0] =	vst v16  }
0x5d: {  	[tilespmem:s7], [sflag:$0x1] =	stream.linear.gather @!p0 [hbm4b:s9+s7], $0x40, $0x38;
	[tilespmem:$0x15C00] =	vst v63  }
0x5e: {  	s10 =	simm.s32 @!p0 $0x80;
	s11 =	rddreg [dreg:$0x4];
	s9 =	sadd.s32 @!p0 s12, s8  }
0x5f: {  	[tilespmem:s10], [sflag:$0x1] =	stream.linear.gather @!p0 [hbm4b:s9+s7], $0x40, $0x38;
	[tilespmem:$0x15C00] =	vst v63  }
0x60: {  	s0 =	rddreg [dreg:$0x5];
	s9 =	sadd.s32 @!p0 s11, s8;
	s10 =	simm.s32 @!p0 $0x100  }
0x61: {  	[tilespmem:s10], [sflag:$0x1] =	stream.linear.gather @!p0 [hbm4b:s9+s7], $0x40, $0x38;
	[tilespmem:$0x15C00] =	vst v63  }
0x62: {  	s8 =	sadd.s32 @!p0 s0, s8;
	s9 =	simm.s32 @!p0 $0x180  }
0x63: {  	[tilespmem:s9], [sflag:$0x1] =	stream.linear.gather @!p0 [hbm4b:s8+s7], $0x40, $0x38;
	[tilespmem:$0x15C00] =	vst v63  }
0x64: {  	s4 =	simm.s32 $0x32;
	s6 =	simm.s32 $0x200;
	s14 =	rddreg [dreg:$0x6]  }
0x65: {  	[tilespmem:s25], [sflag:$0x3] =	stream.indirect.gather [hbm4b:s14+s4], $0x80, s6, s4, $0xb8;
	[tilespmem:$0x15C00] =	vst v63  }
0x66: {  	s23 =	simm.s32 $0x280;
	s26 =	rddreg [dreg:$0x7]  }
0x67: {  	[tilespmem:s28], [sflag:$0x3] =	stream.indirect.gather [hbm4b:s26+s4], $0x80, s23, s4, $0xb8;
	[tilespmem:$0x15C00] =	vst v63  }
0x68: {  	s8 =	simm.s32 $0x300;
	s23 =	rddreg [dreg:$0x8]  }
0x69: {  	[tilespmem:s30], [sflag:$0x3] =	stream.indirect.gather [hbm4b:s23+s4], $0x80, s8, s4, $0xb8;
	[tilespmem:$0x15C00] =	vst v63  }
0x6a: {  	s10 =	simm.s32 $0x2;
	s9 =	simm.s32 $0x380;
	s6 =	rddreg [dreg:$0x9]  }
0x6b: {  	[tilespmem:s13], [sflag:$0x3] =	stream.indirect.gather [hbm4b:s6+s4], $0x80, s9, s4, $0xb8;
	[tilespmem:$0x15C00] =	vst v63  }
0x6c: {  	_ =	swait.ge [sflag:s10], $0x40  }
0x6d: {  	[sflag:s10] =	ssyncset.done $0x0  }
0x6e: {  	[sflag:s10] =	ssyncadd.s32 $0xFFFFFFC0  }
0x6f: {  	_ =	swait.ge [sflag:s10], $0x40  }
0x70: {  	[sflag:s10] =	ssyncset.done $0x0  }
0x71: {  	[sflag:s10] =	ssyncadd.s32 $0xFFFFFFC0  }
0x72: {  	_ =	swait.ge [sflag:s10], $0x40  }
0x73: {  	[sflag:s10] =	ssyncset.done $0x0  }
0x74: {  	[sflag:s10] =	ssyncadd.s32 $0xFFFFFFC0  }
0x75: {  	_ =	swait.ge [sflag:s10], $0x40  }
0x76: {  	[sflag:s10] =	ssyncset.done $0x0  }
0x77: {  	[sflag:s10] =	ssyncadd.s32 $0xFFFFFFC0  }
0x78: {  	v16 =	vld [tilespmem:$0xAE00];
	_ =	sdelay $0x1  }
0x79: {  	v17 =	vld [tilespmem:$0xAE10];
	_ =	sdelay $0x1  }
0x7a: {  	v18 =	vld [tilespmem:$0xAE20]  }
0x7b: {  	v19 =	vshra.s32 v16, $0x1  }
0x7c: {  	v16 =	vand.u32 $0x1, v16;
	[tilespmem:$0xB000] =	vst v19;
	v19 =	vld [tilespmem:$0xAE30]  }
0x7d: {  	[tilespmem:$0xB200] =	vst v16;
	v16 =	vshra.s32 v17, $0x1  }
0x7e: {  	[tilespmem:$0xB010] =	vst v16;
	v16 =	vand.u32 $0x1, v17;
	v17 =	vld [tilespmem:$0xAE80]  }
0x7f: {  	[tilespmem:$0xB210] =	vst v16;
	v16 =	vshra.s32 v18, $0x1  }
0x80: {  	[tilespmem:$0xB020] =	vst v16;
	v16 =	vand.u32 $0x1, v18;
	v18 =	vld [tilespmem:$0xAE90]  }
0x81: {  	[tilespmem:$0xB220] =	vst v16;
	v16 =	vshra.s32 v19, $0x1  }
0x82: {  	[tilespmem:$0xB030] =	vst v16;
	v16 =	vand.u32 $0x1, v19;
	v19 =	vld [tilespmem:$0xAEA0]  }
0x83: {  	[tilespmem:$0xB230] =	vst v16;
	v16 =	vshra.s32 v17, $0x1  }
0x84: {  	[tilespmem:$0xB080] =	vst v16;
	v16 =	vand.u32 $0x1, v17;
	v17 =	vld [tilespmem:$0xAEB0]  }
0x85: {  	[tilespmem:$0xB280] =	vst v16;
	v16 =	vshra.s32 v18, $0x1  }
0x86: {  	[tilespmem:$0xB090] =	vst v16;
	v16 =	vand.u32 $0x1, v18;
	v18 =	vld [tilespmem:$0xAF00]  }
0x87: {  	[tilespmem:$0xB290] =	vst v16;
	v16 =	vshra.s32 v19, $0x1  }
0x88: {  	[tilespmem:$0xB0A0] =	vst v16;
	v16 =	vand.u32 $0x1, v19;
	v19 =	vld [tilespmem:$0xAF10]  }
0x89: {  	[tilespmem:$0xB2A0] =	vst v16;
	v16 =	vshra.s32 v17, $0x1  }
0x8a: {  	[tilespmem:$0xB0B0] =	vst v16;
	v16 =	vand.u32 $0x1, v17;
	v17 =	vld [tilespmem:$0xAF20]  }
0x8b: {  	[tilespmem:$0xB2B0] =	vst v16;
	v16 =	vshra.s32 v18, $0x1  }
0x8c: {  	[tilespmem:$0xB100] =	vst v16;
	v16 =	vand.u32 $0x1, v18;
	v18 =	vld [tilespmem:$0xAF30]  }
0x8d: {  	[tilespmem:$0xB300] =	vst v16;
	v16 =	vshra.s32 v19, $0x1  }
0x8e: {  	[tilespmem:$0xB110] =	vst v16;
	v16 =	vand.u32 $0x1, v19;
	v19 =	vld [tilespmem:$0xAF80]  }
0x8f: {  	[tilespmem:$0xB310] =	vst v16;
	v16 =	vshra.s32 v17, $0x1  }
0x90: {  	[tilespmem:$0xB120] =	vst v16;
	v16 =	vand.u32 $0x1, v17;
	v17 =	vld [tilespmem:$0xAF90]  }
0x91: {  	[tilespmem:$0xB320] =	vst v16;
	v16 =	vshra.s32 v18, $0x1  }
0x92: {  	[tilespmem:$0xB130] =	vst v16;
	v16 =	vand.u32 $0x1, v18;
	v18 =	vld [tilespmem:$0xAFA0]  }
0x93: {  	[tilespmem:$0xB330] =	vst v16;
	v16 =	vshra.s32 v19, $0x1  }
0x94: {  	[tilespmem:$0xB180] =	vst v16;
	v16 =	vand.u32 $0x1, v19;
	v19 =	vld [tilespmem:$0xAFB0]  }
0x95: {  	[tilespmem:$0xB380] =	vst v16;
	v16 =	vshra.s32 v17, $0x1  }
0x96: {  	[tilespmem:$0xB190] =	vst v16;
	v16 =	vand.u32 $0x1, v17  }
0x97: {  	s8 =	rddreg [dreg:$0x15];
	[tilespmem:$0xB390] =	vst v16;
	v16 =	vshra.s32 v18, $0x1  }
0x98: {  	s8 =	sadd.s32 @!p0 s5, s8;
	[tilespmem:$0xB1A0] =	vst v16;
	v16 =	vand.u32 $0x1, v18  }
0x99: {  	[dreg:$0x18] =	wrdreg s5;
	s8 =	sshll.u32 @!p0 s8, $0x3;
	[tilespmem:$0xB3A0] =	vst v16;
	v16 =	vshra.s32 v19, $0x1  }
0x9a: {  	s5 =	rddreg [dreg:$0x0];
	s8 =	sand.u32 @!p0 $0x1FFFFFF8, s8;
	[tilespmem:$0xB1B0] =	vst v16;
	v16 =	vand.u32 $0x1, v19  }
0x9b: {  	s10 =	simm.s32 @!p0 $0xAE00;
	s9 =	sadd.s32 @!p0 s5, s8;
	[tilespmem:$0xB3B0] =	vst v16  }
0x9c: {  	[tilespmem:s10], [sflag:$0x2] =	stream.linear.gather @!p0 [hbm4b:s9+s7], $0x40, $0x38;
	[tilespmem:$0x15C00] =	vst v63  }
0x9d: {  	s9 =	sadd.s32 @!p0 s12, s8;
	s10 =	simm.s32 @!p0 $0xAE80  }
0x9e: {  	[tilespmem:s10], [sflag:$0x2] =	stream.linear.gather @!p0 [hbm4b:s9+s7], $0x40, $0x38;
	[tilespmem:$0x15C00] =	vst v63  }
0x9f: {  	s9 =	sadd.s32 @!p0 s11, s8;
	s10 =	simm.s32 @!p0 $0xAF00  }
0xa0: {  	[tilespmem:s10], [sflag:$0x2] =	stream.linear.gather @!p0 [hbm4b:s9+s7], $0x40, $0x38;
	[tilespmem:$0x15C00] =	vst v63  }
0xa1: {  	s8 =	sadd.s32 @!p0 s0, s8;
	s9 =	simm.s32 @!p0 $0xAF80  }
0xa2: {  	[tilespmem:s9], [sflag:$0x2] =	stream.linear.gather @!p0 [hbm4b:s8+s7], $0x40, $0x38;
	[tilespmem:$0x15C00] =	vst v63  }
0xa3: {  	s9 =	simm.s32 $0xB000  }
0xa4: {  	[tilespmem:s16], [sflag:$0x4] =	stream.indirect.gather [hbm4b:s14+s4], $0x80, s9, s4, $0xb8;
	[tilespmem:$0x15C00] =	vst v63  }
0xa5: {  	s10 =	simm.s32 $0xB080  }
0xa6: {  	[tilespmem:s18], [sflag:$0x4] =	stream.indirect.gather [hbm4b:s26+s4], $0x80, s10, s4, $0xb8;
	[tilespmem:$0x15C00] =	vst v63  }
0xa7: {  	s11 =	simm.s32 $0xB100  }
0xa8: {  	[tilespmem:s20], [sflag:$0x4] =	stream.indirect.gather [hbm4b:s23+s4], $0x80, s11, s4, $0xb8;
	[tilespmem:$0x15C00] =	vst v63  }
0xa9: {  	s12 =	simm.s32 $0xB180;
	s14 =	simm.s32 $0x3  }
0xaa: {  	[tilespmem:s24], [sflag:$0x4] =	stream.indirect.gather [hbm4b:s6+s4], $0x80, s12, s4, $0xb8;
	[tilespmem:$0x15C00] =	vst v63  }
0xab: {  	s4 =	rddreg [dreg:$0x19];
	_ =	swait.ge [sflag:s14], $0x1900  }
0xac: {  	[sflag:s14] =	ssyncset.done $0x0  }
0xad: {  	[sflag:s14] =	ssyncadd.s32 $0xFFFFE700  }
0xae: {  	_ =	swait.ge [sflag:s14], $0x1900  }
0xaf: {  	[sflag:s14] =	ssyncset.done $0x0  }
0xb0: {  	[sflag:s14] =	ssyncadd.s32 $0xFFFFE700  }
0xb1: {  	_ =	swait.ge [sflag:s14], $0x1900  }
0xb2: {  	[sflag:s14] =	ssyncset.done $0x0  }
0xb3: {  	[sflag:s14] =	ssyncadd.s32 $0xFFFFE700  }
0xb4: {  	s23 =	simm.s32 $0x0;
	_ =	swait.ge [sflag:s14], $0x1900  }
0xb5: {  	v16 =	vmov s23;
	p0 =	seq.s32 s4, $0x0;
	[sflag:s14] =	ssyncset.done $0x0  }
0xb6: {  	s7 =	simm.s32 @!p0 $0x5;
	[sflag:s14] =	ssyncadd.s32 $0xFFFFE700  }
0xb7: {  	_ =	swait.ge @!p0 [sflag:s7], $0x3800  }
0xb8: {  	[sflag:s7] =	ssyncset.done @!p0 $0x0  }
0xb9: {  	[sflag:s7] =	ssyncadd.s32 @!p0 $0xFFFFC800  }
0xba: {  	v17 =	vld.idx.msk [tilespmem:v16+s31+$0x0], $0xffff  }
0xbb: {  	v18 =	vld.idx.msk [tilespmem:v16+s29+$0x0], $0xffff  }
0xbc: {  	v19 =	vld.idx.msk [tilespmem:v16+s15+$0x0], $0xffff;
	_ =	sdelay $0x2  }
0xbd: {  	v20 =	vshll.u32 v16, $0x7  }
0xbe: {  	v21 =	vshll.u32 v16, $0x8;
	v16 =	vld.idx.msk [tilespmem:v16+s17+$0x0], $0xffff;
	v24 =	vshll.u32 v17, $0x6;
	v23 =	vshll.u32 v18, $0x6  }
0xbf: {  	v19 =	vshll.u32 v19, $0x6;
	v17 =	vor.u32 v0, v24;
	v18 =	vand.u32 $0xFFFFFF80, v24  }
0xc0: {  	v22 =	vor.u32 v0, v23;
	v25 =	vand.u32 $0xFFFFFF80, v23;
	v26 =	vand.u32 $0x4F, v17  }
0xc1: {  	v22 =	vand.u32 $0x4F, v22;
	v28 =	vadd.s32 v20, v25;
	v17 =	vadd.s32 v20, v18  }
0xc2: {  	v18 =	vor.u32 v0, v19;
	v22 =	vor.u32 v22, v28;
	v25 =	vor.u32 v26, v17  }
0xc3: {  	v26 =	vshll.u32 v16, $0x6;
	v16 =	vand.u32 $0xFFFFFF80, v19;
	v18 =	vand.u32 $0x4F, v18  }
0xc4: {  	v27 =	vadd.s32 v20, v16;
	v16 =	vor.u32 v0, v26;
	v29 =	vand.u32 $0xFFFFFF80, v26  }
0xc5: {  	v30 =	vor.u32 v18, v27;
	v16 =	vand.u32 $0x4F, v16;
	v18 =	vadd.s32 v20, v29  }
0xc6: {  	v21 =	vand.u32 $0x3800, v21;
	v20 =	vand.u32 $0x380, v20;
	v29 =	vor.u32 v16, v18  }
0xc7: {  	v16 =	vor.u32 v20, v21  }
0xc8: {  	v20 =	vor.u32 v0, v16;
	v21 =	vld.idx.msk [tilespmem:v22+s25+$0x0], $0xffff  }
0xc9: {  	v22 =	vld.idx.msk [tilespmem:v25+s28+$0x0], $0xffff;
	v25 =	vor.u32 v1, v16  }
0xca: {  	v33 =	vor.u32 v4, v23;
	v31 =	vor.u32 v2, v16;
	v30 =	vld.idx.msk [tilespmem:v30+s30+$0x0], $0xffff  }
0xcb: {  	v35 =	vor.u32 v4, v24;
	v33 =	vand.u32 $0x5F, v33;
	v34 =	vor.u32 v3, v16;
	v29 =	vld.idx.msk [tilespmem:v29+s13+$0x0], $0xffff  }
0xcc: {  	v32 =	vor.u32 v4, v19;
	v35 =	vand.u32 $0x5F, v35;
	v33 =	vor.u32 v33, v28  }
0xcd: {  	v32 =	vand.u32 $0x5F, v32;
	v35 =	vor.u32 v35, v17;
	v36 =	vor.u32 v4, v26;
	[tilespmem:v20+s19+$0x0] =	vst.idx.msk $0xffff, v21  }
0xce: {  	v37 =	vor.u32 v8, v19;
	v32 =	vor.u32 v32, v27;
	[tilespmem:v25+s19+$0x0] =	vst.idx.msk $0xffff, v22;
	v22 =	vand.u32 $0x5F, v36  }
0xcf: {  	v19 =	vor.u32 v12, v19;
	v20 =	vand.u32 $0x6F, v37;
	[tilespmem:v31+s19+$0x0] =	vst.idx.msk $0xffff, v30;
	v31 =	vor.u32 v22, v18  }
0xd0: {  	v19 =	vand.u32 $0x7F, v19;
	v21 =	vor.u32 v20, v27;
	v20 =	vor.u32 v8, v23;
	[tilespmem:v34+s19+$0x0] =	vst.idx.msk $0xffff, v29  }
0xd1: {  	v62 =	vor.u32 v4, v16;
	v23 =	vor.u32 v12, v23;
	v20 =	vand.u32 $0x6F, v20;
	v33 =	vld.idx.msk [tilespmem:v33+s25+$0x0], $0xffff  }
0xd2: {  	v23 =	vand.u32 $0x7F, v23;
	v25 =	vor.u32 v20, v28;
	v20 =	vor.u32 v19, v27;
	v27 =	vld.idx.msk [tilespmem:v35+s28+$0x0], $0xffff  }
0xd3: {  	v30 =	vor.u32 v5, v16;
	v23 =	vor.u32 v23, v28;
	v28 =	vld.idx.msk [tilespmem:v32+s30+$0x0], $0xffff  }
0xd4: {  	v29 =	vld.idx.msk [tilespmem:v31+s13+$0x0], $0xffff;
	v31 =	vor.u32 v6, v16  }
0xd5: {  	v61 =	vor.u32 v8, v24;
	v24 =	vor.u32 v12, v24;
	v32 =	vor.u32 v7, v16  }
0xd6: {  	s26 =	simm.s32 $0x1;
	v63 =	vand.u32 $0x6F, v61;
	v60 =	vor.u32 v8, v26;
	v22 =	vor.u32 v12, v26  }
0xd7: {  	s8 =	simm.s32 $0x2;
	s7 =	sshllo.u32 s4, $0x1;
	v26 =	vand.u32 $0x6F, v60;
	v19 =	vmov s26;
	[tilespmem:v62+s19+$0x0] =	vst.idx.msk $0xffff, v33;
	v33 =	vor.u32 v63, v17  }
.LBB2_3:
0xd8: {  	p1 =	sne.s32 s8, $0x31;
	[tilespmem:v30+s19+$0x0] =	vst.idx.msk $0xffff, v27;
	s9 =	smov.u32 s8;
	s8 =	sadd.s32 $0x1, s8  }
0xd9: {  	v26 =	vor.u32 v26, v18;
	[tilespmem:v31+s19+$0x0] =	vst.idx.msk $0xffff, v28  }
0xda: {  	[tilespmem:v32+s19+$0x0] =	vst.idx.msk $0xffff, v29  }
0xdb: {  	v25 =	vld.idx.msk [tilespmem:v25+s25+$0x0], $0xffff  }
0xdc: {  	v28 =	vor.u32 v8, v16;
	v27 =	vld.idx.msk [tilespmem:v33+s28+$0x0], $0xffff  }
0xdd: {  	v29 =	vor.u32 v9, v16;
	v21 =	vld.idx.msk [tilespmem:v21+s30+$0x0], $0xffff  }
0xde: {  	v30 =	vor.u32 v10, v16;
	v26 =	vld.idx.msk [tilespmem:v26+s13+$0x0], $0xffff  }
0xdf: {  	v31 =	vor.u32 v11, v16  }
0xe0: {  	v24 =	vand.u32 $0x7F, v24  }
0xe1: {  	v17 =	vor.u32 v24, v17;
	[tilespmem:v28+s19+$0x0] =	vst.idx.msk $0xffff, v25  }
0xe2: {  	v22 =	vand.u32 $0x7F, v22;
	[tilespmem:v29+s19+$0x0] =	vst.idx.msk $0xffff, v27  }
0xe3: {  	v24 =	vshll.u32 v19, $0x7;
	v18 =	vor.u32 v22, v18;
	v25 =	vshll.u32 v19, $0x8;
	[tilespmem:v30+s19+$0x0] =	vst.idx.msk $0xffff, v21  }
0xe4: {  	v22 =	vand.u32 $0x380, v24;
	v21 =	vand.u32 $0x3800, v25;
	[tilespmem:v31+s19+$0x0] =	vst.idx.msk $0xffff, v26  }
0xe5: {  	v23 =	vld.idx.msk [tilespmem:v23+s25+$0x0], $0xffff  }
0xe6: {  	v25 =	vor.u32 v12, v16;
	v17 =	vld.idx.msk [tilespmem:v17+s28+$0x0], $0xffff  }
0xe7: {  	v26 =	vor.u32 v13, v16;
	v20 =	vld.idx.msk [tilespmem:v20+s30+$0x0], $0xffff  }
0xe8: {  	v27 =	vor.u32 v14, v16;
	v18 =	vld.idx.msk [tilespmem:v18+s13+$0x0], $0xffff  }
0xe9: {  	v28 =	vor.u32 v15, v16;
	_ =	sdelay $0x1  }
0xea: {  	[tilespmem:v25+s19+$0x0] =	vst.idx.msk $0xffff, v23  }
0xeb: {  	[tilespmem:v26+s19+$0x0] =	vst.idx.msk $0xffff, v17  }
0xec: {  	[tilespmem:v27+s19+$0x0] =	vst.idx.msk $0xffff, v20  }
0xed: {  	v16 =	vor.u32 v22, v21;
	[tilespmem:v28+s19+$0x0] =	vst.idx.msk $0xffff, v18  }
0xee: {  	v23 =	vor.u32 v0, v16;
	v17 =	vld.idx.msk [tilespmem:v19+s31+$0x0], $0xffff  }
0xef: {  	v18 =	vld.idx.msk [tilespmem:v19+s29+$0x0], $0xffff  }
0xf0: {  	v27 =	vor.u32 v2, v16  }
0xf1: {  	v28 =	vor.u32 v3, v16;
	v20 =	vld.idx.msk [tilespmem:v19+s15+$0x0], $0xffff  }
0xf2: {  	v19 =	vld.idx.msk [tilespmem:v19+s17+$0x0], $0xffff;
	_ =	sdelay $0x1  }
0xf3: {  	v29 =	vshll.u32 v17, $0x6  }
0xf4: {  	v30 =	vshll.u32 v18, $0x6;
	v17 =	vor.u32 v0, v29;
	v18 =	vand.u32 $0xFFFFFF80, v29  }
0xf5: {  	v21 =	vor.u32 v0, v30;
	v22 =	vand.u32 $0xFFFFFF80, v30;
	v25 =	vand.u32 $0x4F, v17  }
0xf6: {  	v17 =	vadd.s32 v24, v18;
	v21 =	vand.u32 $0x4F, v21;
	v31 =	vadd.s32 v24, v22  }
0xf7: {  	v20 =	vshll.u32 v20, $0x6;
	v22 =	vor.u32 v25, v17;
	v21 =	vor.u32 v21, v31  }
0xf8: {  	v19 =	vshll.u32 v19, $0x6;
	v18 =	vor.u32 v0, v20;
	v25 =	vand.u32 $0xFFFFFF80, v20  }
0xf9: {  	v18 =	vand.u32 $0x4F, v18;
	v32 =	vadd.s32 v24, v25;
	v25 =	vor.u32 v0, v19  }
0xfa: {  	v26 =	vor.u32 v4, v20;
	v33 =	vor.u32 v18, v32;
	v18 =	vand.u32 $0xFFFFFF80, v19  }
0xfb: {  	v25 =	vand.u32 $0x4F, v25;
	v18 =	vadd.s32 v24, v18;
	v24 =	vand.u32 $0x5F, v26  }
0xfc: {  	v25 =	vor.u32 v25, v18;
	v34 =	vor.u32 v24, v32;
	v24 =	vor.u32 v4, v19  }
0xfd: {  	v35 =	vor.u32 v4, v29;
	v36 =	vor.u32 v8, v20;
	v26 =	vor.u32 v4, v30  }
0xfe: {  	v37 =	vld.idx.msk [tilespmem:v21+s25+$0x0], $0xffff;
	v21 =	vand.u32 $0x5F, v26;
	v26 =	vand.u32 $0x6F, v36;
	v36 =	vor.u32 v8, v19  }
0xff: {  	v38 =	vld.idx.msk [tilespmem:v22+s28+$0x0], $0xffff;
	v39 =	vor.u32 v21, v31;
	v21 =	vor.u32 v26, v32;
	v26 =	vand.u32 $0x6F, v36  }
0x100: {  	v40 =	vor.u32 v8, v29;
	v36 =	vor.u32 v1, v16;
	v22 =	vor.u32 v8, v30;
	v33 =	vld.idx.msk [tilespmem:v33+s30+$0x0], $0xffff  }
0x101: {  	v20 =	vor.u32 v12, v20;
	v41 =	vld.idx.msk [tilespmem:v25+s13+$0x0], $0xffff;
	v25 =	vand.u32 $0x6F, v22;
	v22 =	vor.u32 v12, v19  }
0x102: {  	v20 =	vand.u32 $0x7F, v20;
	v19 =	vor.u32 v12, v30;
	v25 =	vor.u32 v25, v31  }
0x103: {  	v20 =	vor.u32 v20, v32;
	v30 =	vand.u32 $0x5F, v35;
	v19 =	vand.u32 $0x7F, v19  }
0x104: {  	v30 =	vor.u32 v30, v17;
	[tilespmem:v23+s19+$0x0] =	vst.idx.msk $0xffff, v37;
	v23 =	vor.u32 v19, v31  }
0x105: {  	v19 =	vand.u32 $0x5F, v24;
	v24 =	vor.u32 v12, v29;
	[tilespmem:v36+s19+$0x0] =	vst.idx.msk $0xffff, v38  }
0x106: {  	v19 =	vor.u32 v19, v18;
	[tilespmem:v27+s19+$0x0] =	vst.idx.msk $0xffff, v33  }
0x107: {  	[tilespmem:v28+s19+$0x0] =	vst.idx.msk $0xffff, v41  }
0x108: {  	v33 =	vld.idx.msk [tilespmem:v39+s25+$0x0], $0xffff  }
0x109: {  	v35 =	vor.u32 v4, v16;
	v27 =	vld.idx.msk [tilespmem:v30+s28+$0x0], $0xffff  }
.Ltmp0:
0x10a: {  	v30 =	vor.u32 v5, v16;
	v28 =	vld.idx.msk [tilespmem:v34+s30+$0x0], $0xffff;
	(pc) =	sbr.rel @p1 .LBB2_3-.Ltmp0, $4  }
0x10b: {  	v31 =	vor.u32 v6, v16;
	v29 =	vld.idx.msk [tilespmem:v19+s13+$0x0], $0xffff  }
0x10c: {  	v32 =	vor.u32 v7, v16  }
0x10d: {  	v34 =	vand.u32 $0x6F, v40  }
0x10e: {  	v19 =	vmov s9;
	[tilespmem:v35+s19+$0x0] =	vst.idx.msk $0xffff, v33;
	v33 =	vor.u32 v34, v17  }
0x10f: {  	_ =	sdelay $0x3  }
0x110: {  	[tilespmem:v30+s19+$0x0] =	vst.idx.msk $0xffff, v27  }
0x111: {  	v26 =	vor.u32 v26, v18;
	[tilespmem:v31+s19+$0x0] =	vst.idx.msk $0xffff, v28  }
0x112: {  	[tilespmem:v32+s19+$0x0] =	vst.idx.msk $0xffff, v29  }
0x113: {  	v27 =	vor.u32 v8, v16;
	v25 =	vld.idx.msk [tilespmem:v25+s25+$0x0], $0xffff  }
0x114: {  	v29 =	vor.u32 v9, v16;
	v28 =	vld.idx.msk [tilespmem:v33+s28+$0x0], $0xffff  }
0x115: {  	v30 =	vor.u32 v10, v16;
	v21 =	vld.idx.msk [tilespmem:v21+s30+$0x0], $0xffff  }
0x116: {  	v31 =	vor.u32 v11, v16;
	v26 =	vld.idx.msk [tilespmem:v26+s13+$0x0], $0xffff  }
0x117: {  	v24 =	vand.u32 $0x7F, v24  }
0x118: {  	v17 =	vor.u32 v24, v17;
	[tilespmem:v27+s19+$0x0] =	vst.idx.msk $0xffff, v25  }
0x119: {  	v22 =	vand.u32 $0x7F, v22;
	[tilespmem:v29+s19+$0x0] =	vst.idx.msk $0xffff, v28  }
0x11a: {  	v18 =	vor.u32 v22, v18;
	[tilespmem:v30+s19+$0x0] =	vst.idx.msk $0xffff, v21  }
0x11b: {  	[tilespmem:v31+s19+$0x0] =	vst.idx.msk $0xffff, v26  }
0x11c: {  	v22 =	vor.u32 v12, v16;
	v21 =	vld.idx.msk [tilespmem:v23+s25+$0x0], $0xffff  }
0x11d: {  	v17 =	vld.idx.msk [tilespmem:v17+s28+$0x0], $0xffff;
	v23 =	vor.u32 v13, v16  }
0x11e: {  	v24 =	vor.u32 v14, v16;
	v20 =	vld.idx.msk [tilespmem:v20+s30+$0x0], $0xffff  }
0x11f: {  	v18 =	vld.idx.msk [tilespmem:v18+s13+$0x0], $0xffff;
	v16 =	vor.u32 v15, v16;
	_ =	sdelay $0x1  }
0x120: {  	[tilespmem:v22+s19+$0x0] =	vst.idx.msk $0xffff, v21  }
0x121: {  	[tilespmem:v23+s19+$0x0] =	vst.idx.msk $0xffff, v17  }
0x122: {  	[tilespmem:v24+s19+$0x0] =	vst.idx.msk $0xffff, v20  }
0x123: {  	[tilespmem:v16+s19+$0x0] =	vst.idx.msk $0xffff, v18  }
0x124: {  	v16 =	vld.idx.msk [tilespmem:v19+s31+$0x0], $0xffff  }
0x125: {  	v17 =	vld.idx.msk [tilespmem:v19+s29+$0x0], $0xffff  }
0x126: {  	v18 =	vld.idx.msk [tilespmem:v19+s15+$0x0], $0xffff  }
0x127: {  	v21 =	vshll.u32 v19, $0x8;
	v20 =	vshll.u32 v19, $0x7;
	v19 =	vld.idx.msk [tilespmem:v19+s17+$0x0], $0xffff;
	_ =	sdelay $0x3  }
0x128: {  	v16 =	vshll.u32 v16, $0x6;
	v17 =	vshll.u32 v17, $0x6  }
0x129: {  	v18 =	vshll.u32 v18, $0x6;
	v19 =	vshll.u32 v19, $0x6;
	v22 =	vor.u32 v0, v16  }
0x12a: {  	v23 =	vand.u32 $0xFFFFFF80, v16;
	v24 =	vor.u32 v0, v17;
	v25 =	vand.u32 $0xFFFFFF80, v17  }
0x12b: {  	v26 =	vor.u32 v0, v18;
	v27 =	vand.u32 $0xFFFFFF80, v18;
	v28 =	vor.u32 v0, v19  }
0x12c: {  	v29 =	vand.u32 $0xFFFFFF80, v19;
	v24 =	vand.u32 $0x4F, v24;
	v25 =	vadd.s32 v20, v25  }
0x12d: {  	v22 =	vand.u32 $0x4F, v22;
	v23 =	vadd.s32 v20, v23;
	v24 =	vor.u32 v24, v25  }
0x12e: {  	v26 =	vand.u32 $0x4F, v26;
	v27 =	vadd.s32 v20, v27;
	v22 =	vor.u32 v22, v23  }
0x12f: {  	v28 =	vand.u32 $0x4F, v28;
	v29 =	vadd.s32 v20, v29;
	v26 =	vor.u32 v26, v27  }
0x130: {  	v21 =	vand.u32 $0x3800, v21;
	v20 =	vand.u32 $0x380, v20;
	v28 =	vor.u32 v28, v29  }
0x131: {  	v20 =	vor.u32 v20, v21  }
0x132: {  	v21 =	vor.u32 v0, v20;
	v24 =	vld.idx.msk [tilespmem:v24+s25+$0x0], $0xffff  }
0x133: {  	v30 =	vor.u32 v1, v20;
	v22 =	vld.idx.msk [tilespmem:v22+s28+$0x0], $0xffff  }
0x134: {  	v48 =	vor.u32 v4, v17;
	v31 =	vor.u32 v2, v20;
	v26 =	vld.idx.msk [tilespmem:v26+s30+$0x0], $0xffff  }
0x135: {  	v34 =	vor.u32 v4, v16;
	v32 =	vand.u32 $0x5F, v48;
	v49 =	vor.u32 v3, v20;
	v28 =	vld.idx.msk [tilespmem:v28+s13+$0x0], $0xffff  }
0x136: {  	v35 =	vor.u32 v4, v18;
	v34 =	vand.u32 $0x5F, v34;
	v32 =	vor.u32 v32, v25  }
0x137: {  	v36 =	vor.u32 v4, v19;
	v35 =	vand.u32 $0x5F, v35;
	[tilespmem:v21+s19+$0x0] =	vst.idx.msk $0xffff, v24;
	v21 =	vor.u32 v34, v23  }
0x138: {  	v24 =	vor.u32 v35, v27;
	[tilespmem:v30+s19+$0x0] =	vst.idx.msk $0xffff, v22;
	v22 =	vand.u32 $0x5F, v36  }
0x139: {  	[tilespmem:v31+s19+$0x0] =	vst.idx.msk $0xffff, v26;
	v22 =	vor.u32 v22, v29  }
0x13a: {  	[tilespmem:v49+s19+$0x0] =	vst.idx.msk $0xffff, v28  }
0x13b: {  	v28 =	vor.u32 v4, v20;
	v26 =	vld.idx.msk [tilespmem:v32+s25+$0x0], $0xffff  }
0x13c: {  	v30 =	vor.u32 v5, v20;
	v21 =	vld.idx.msk [tilespmem:v21+s28+$0x0], $0xffff  }
0x13d: {  	v50 =	vor.u32 v6, v20;
	v31 =	vor.u32 v8, v17;
	v24 =	vld.idx.msk [tilespmem:v24+s30+$0x0], $0xffff  }
0x13e: {  	v51 =	vor.u32 v8, v16;
	v52 =	vor.u32 v7, v20;
	v31 =	vand.u32 $0x6F, v31;
	v22 =	vld.idx.msk [tilespmem:v22+s13+$0x0], $0xffff  }
0x13f: {  	v53 =	vor.u32 v8, v18;
	v33 =	vand.u32 $0x6F, v51;
	v31 =	vor.u32 v31, v25  }
0x140: {  	v54 =	vor.u32 v8, v19;
	v35 =	vand.u32 $0x6F, v53;
	[tilespmem:v28+s19+$0x0] =	vst.idx.msk $0xffff, v26;
	v26 =	vor.u32 v33, v23  }
0x141: {  	v55 =	vand.u32 $0x6F, v54;
	v28 =	vor.u32 v35, v27;
	[tilespmem:v30+s19+$0x0] =	vst.idx.msk $0xffff, v21  }
0x142: {  	v21 =	vor.u32 v55, v29;
	[tilespmem:v50+s19+$0x0] =	vst.idx.msk $0xffff, v24  }
0x143: {  	[tilespmem:v52+s19+$0x0] =	vst.idx.msk $0xffff, v22  }
0x144: {  	v24 =	vor.u32 v8, v20;
	v22 =	vld.idx.msk [tilespmem:v31+s25+$0x0], $0xffff  }
0x145: {  	v30 =	vor.u32 v9, v20;
	v26 =	vld.idx.msk [tilespmem:v26+s28+$0x0], $0xffff  }
0x146: {  	v17 =	vor.u32 v12, v17;
	v31 =	vor.u32 v10, v20;
	v28 =	vld.idx.msk [tilespmem:v28+s30+$0x0], $0xffff  }
0x147: {  	v16 =	vor.u32 v12, v16;
	v56 =	vor.u32 v11, v20;
	v17 =	vand.u32 $0x7F, v17;
	v21 =	vld.idx.msk [tilespmem:v21+s13+$0x0], $0xffff  }
0x148: {  	v18 =	vor.u32 v12, v18;
	v16 =	vand.u32 $0x7F, v16;
	v17 =	vor.u32 v17, v25  }
0x149: {  	v19 =	vor.u32 v12, v19;
	v18 =	vand.u32 $0x7F, v18;
	v16 =	vor.u32 v16, v23;
	[tilespmem:v24+s19+$0x0] =	vst.idx.msk $0xffff, v22  }
0x14a: {  	v19 =	vand.u32 $0x7F, v19;
	v18 =	vor.u32 v18, v27;
	[tilespmem:v30+s19+$0x0] =	vst.idx.msk $0xffff, v26  }
0x14b: {  	v19 =	vor.u32 v19, v29;
	[tilespmem:v31+s19+$0x0] =	vst.idx.msk $0xffff, v28  }
0x14c: {  	[tilespmem:v56+s19+$0x0] =	vst.idx.msk $0xffff, v21  }
0x14d: {  	v21 =	vor.u32 v12, v20;
	v17 =	vld.idx.msk [tilespmem:v17+s25+$0x0], $0xffff  }
0x14e: {  	v22 =	vor.u32 v13, v20;
	v16 =	vld.idx.msk [tilespmem:v16+s28+$0x0], $0xffff  }
0x14f: {  	v23 =	vor.u32 v14, v20;
	v18 =	vld.idx.msk [tilespmem:v18+s30+$0x0], $0xffff  }
0x150: {  	s11 =	rddreg [dreg:$0xb];
	v20 =	vor.u32 v15, v20;
	v19 =	vld.idx.msk [tilespmem:v19+s13+$0x0], $0xffff  }
0x151: {  	s0 =	rddreg [dreg:$0x18]  }
0x152: {  	s6 =	sadd.s32 s11, s0;
	[tilespmem:v21+s19+$0x0] =	vst.idx.msk $0xffff, v17  }
0x153: {  	s6 =	smul.u32 $0x700, s6;
	[tilespmem:v22+s19+$0x0] =	vst.idx.msk $0xffff, v16  }
0x154: {  	s10 =	rddreg [dreg:$0xa];
	[tilespmem:v23+s19+$0x0] =	vst.idx.msk $0xffff, v18  }
0x155: {  	s9 =	simm.s32 $0x0;
	s23 =	simm.s32 $0x4;
	s6 =	sadd.s32 s10, s6;
	[tilespmem:v20+s19+$0x0] =	vst.idx.msk $0xffff, v19  }
0x156: {  	[hbm4b:s6+s9] =	stream.linear.scatter [tilespmem:s19], [sflag:$0x5], $0x3800, $0x38;
	[tilespmem:$0x15C00] =	vst v63  }
0x157: {  	_ =	swait.ge [sflag:s23], $0x1900  }
0x158: {  	[sflag:s23] =	ssyncset.done $0x0  }
0x159: {  	[sflag:s23] =	ssyncadd.s32 $0xFFFFE700  }
0x15a: {  	_ =	swait.ge [sflag:s23], $0x1900  }
0x15b: {  	[sflag:s23] =	ssyncset.done $0x0  }
0x15c: {  	[sflag:s23] =	ssyncadd.s32 $0xFFFFE700  }
0x15d: {  	_ =	swait.ge [sflag:s23], $0x1900  }
0x15e: {  	[sflag:s23] =	ssyncset.done $0x0  }
0x15f: {  	[sflag:s23] =	ssyncadd.s32 $0xFFFFE700  }
0x160: {  	s26 =	simm.s32 $0x0;
	_ =	swait.ge [sflag:s23], $0x1900  }
0x161: {  	v16 =	vmov s26;
	[sflag:s23] =	ssyncset.done $0x0  }
0x162: {  	s6 =	simm.s32 @!p0 $0x6;
	[sflag:s23] =	ssyncadd.s32 $0xFFFFE700  }
0x163: {  	_ =	swait.ge @!p0 [sflag:s6], $0x3800  }
0x164: {  	[sflag:s6] =	ssyncset.done @!p0 $0x0  }
0x165: {  	[sflag:s6] =	ssyncadd.s32 @!p0 $0xFFFFC800  }
0x166: {  	v17 =	vld.idx.msk [tilespmem:v16+s21+$0x0], $0xffff  }
0x167: {  	v18 =	vld.idx.msk [tilespmem:v16+s1+$0x0], $0xffff  }
0x168: {  	v19 =	vld.idx.msk [tilespmem:v16+s22+$0x0], $0xffff;
	_ =	sdelay $0x2  }
0x169: {  	v21 =	vshll.u32 v16, $0x8  }
0x16a: {  	v20 =	vshll.u32 v16, $0x7;
	v16 =	vld.idx.msk [tilespmem:v16+s2+$0x0], $0xffff;
	v25 =	vshll.u32 v17, $0x6;
	v23 =	vshll.u32 v18, $0x6  }
0x16b: {  	v19 =	vshll.u32 v19, $0x6;
	v17 =	vor.u32 v0, v25;
	v18 =	vand.u32 $0xFFFFFF80, v25  }
0x16c: {  	v22 =	vor.u32 v0, v23;
	v24 =	vand.u32 $0xFFFFFF80, v23;
	v26 =	vand.u32 $0x4F, v17  }
0x16d: {  	v22 =	vand.u32 $0x4F, v22;
	v28 =	vadd.s32 v20, v24;
	v17 =	vadd.s32 v20, v18  }
0x16e: {  	v18 =	vor.u32 v0, v19;
	v22 =	vor.u32 v22, v28;
	v24 =	vor.u32 v26, v17  }
0x16f: {  	v26 =	vshll.u32 v16, $0x6;
	v16 =	vand.u32 $0xFFFFFF80, v19;
	v18 =	vand.u32 $0x4F, v18  }
0x170: {  	v29 =	vadd.s32 v20, v16;
	v16 =	vor.u32 v0, v26;
	v27 =	vand.u32 $0xFFFFFF80, v26  }
0x171: {  	v30 =	vor.u32 v18, v29;
	v16 =	vand.u32 $0x4F, v16;
	v18 =	vadd.s32 v20, v27  }
0x172: {  	v21 =	vand.u32 $0x3800, v21;
	v20 =	vand.u32 $0x380, v20;
	v27 =	vor.u32 v16, v18  }
0x173: {  	v16 =	vor.u32 v20, v21  }
0x174: {  	v20 =	vor.u32 v0, v16;
	v21 =	vld.idx.msk [tilespmem:v22+s16+$0x0], $0xffff  }
0x175: {  	v22 =	vld.idx.msk [tilespmem:v24+s18+$0x0], $0xffff;
	v24 =	vor.u32 v1, v16  }
0x176: {  	v57 =	vor.u32 v4, v23;
	v59 =	vor.u32 v4, v19;
	v31 =	vor.u32 v2, v16;
	v30 =	vld.idx.msk [tilespmem:v30+s20+$0x0], $0xffff  }
0x177: {  	v60 =	vor.u32 v4, v25;
	v32 =	vand.u32 $0x5F, v57;
	v58 =	vor.u32 v3, v16;
	v27 =	vld.idx.msk [tilespmem:v27+s24+$0x0], $0xffff  }
0x178: {  	v61 =	vor.u32 v8, v19;
	v35 =	vand.u32 $0x5F, v60;
	v32 =	vor.u32 v32, v28  }
0x179: {  	v34 =	vand.u32 $0x5F, v59;
	v35 =	vor.u32 v35, v17;
	[tilespmem:v20+s3+$0x0] =	vst.idx.msk $0xffff, v21;
	v20 =	vor.u32 v4, v26  }
0x17a: {  	v19 =	vor.u32 v12, v19;
	v34 =	vor.u32 v34, v29;
	[tilespmem:v24+s3+$0x0] =	vst.idx.msk $0xffff, v22;
	v20 =	vand.u32 $0x5F, v20  }
0x17b: {  	v19 =	vand.u32 $0x7F, v19;
	[tilespmem:v31+s3+$0x0] =	vst.idx.msk $0xffff, v30;
	v31 =	vor.u32 v20, v18  }
0x17c: {  	v37 =	vor.u32 v4, v16;
	v21 =	vand.u32 $0x6F, v61;
	v22 =	vor.u32 v8, v26;
	[tilespmem:v58+s3+$0x0] =	vst.idx.msk $0xffff, v27  }
0x17d: {  	v24 =	vand.u32 $0x6F, v22;
	v22 =	vor.u32 v8, v23;
	v23 =	vor.u32 v12, v23;
	v63 =	vld.idx.msk [tilespmem:v32+s16+$0x0], $0xffff  }
0x17e: {  	v30 =	vor.u32 v5, v16;
	v20 =	vand.u32 $0x6F, v22;
	v23 =	vand.u32 $0x7F, v23;
	v27 =	vld.idx.msk [tilespmem:v35+s18+$0x0], $0xffff  }
0x17f: {  	v22 =	vor.u32 v12, v26;
	v26 =	vor.u32 v20, v28;
	v23 =	vor.u32 v23, v28;
	v28 =	vld.idx.msk [tilespmem:v34+s20+$0x0], $0xffff  }
0x180: {  	v21 =	vor.u32 v21, v29;
	v20 =	vor.u32 v19, v29;
	v29 =	vld.idx.msk [tilespmem:v31+s24+$0x0], $0xffff;
	v31 =	vor.u32 v6, v16  }
0x181: {  	v62 =	vor.u32 v8, v25;
	v32 =	vor.u32 v7, v16  }
0x182: {  	s8 =	simm.s32 $0x1;
	v33 =	vand.u32 $0x6F, v62  }
0x183: {  	s6 =	simm.s32 $0x2;
	v25 =	vor.u32 v12, v25;
	v33 =	vor.u32 v33, v17;
	v19 =	vmov s8;
	[tilespmem:v37+s3+$0x0] =	vst.idx.msk $0xffff, v63  }
.LBB2_5:
0x184: {  	p0 =	sne.s32 s6, $0x31;
	[tilespmem:v30+s3+$0x0] =	vst.idx.msk $0xffff, v27;
	s8 =	smov.u32 s6;
	s6 =	sadd.s32 $0x1, s6  }
0x185: {  	v24 =	vor.u32 v24, v18;
	[tilespmem:v31+s3+$0x0] =	vst.idx.msk $0xffff, v28  }
0x186: {  	[tilespmem:v32+s3+$0x0] =	vst.idx.msk $0xffff, v29  }
0x187: {  	v26 =	vld.idx.msk [tilespmem:v26+s16+$0x0], $0xffff  }
0x188: {  	v28 =	vor.u32 v8, v16;
	v27 =	vld.idx.msk [tilespmem:v33+s18+$0x0], $0xffff  }
0x189: {  	v29 =	vor.u32 v9, v16;
	v21 =	vld.idx.msk [tilespmem:v21+s20+$0x0], $0xffff  }
0x18a: {  	v30 =	vor.u32 v10, v16;
	v24 =	vld.idx.msk [tilespmem:v24+s24+$0x0], $0xffff  }
0x18b: {  	v31 =	vor.u32 v11, v16  }
0x18c: {  	v25 =	vand.u32 $0x7F, v25  }
0x18d: {  	v17 =	vor.u32 v25, v17;
	[tilespmem:v28+s3+$0x0] =	vst.idx.msk $0xffff, v26  }
0x18e: {  	v22 =	vand.u32 $0x7F, v22;
	[tilespmem:v29+s3+$0x0] =	vst.idx.msk $0xffff, v27  }
0x18f: {  	v25 =	vshll.u32 v19, $0x7;
	v18 =	vor.u32 v22, v18;
	v26 =	vshll.u32 v19, $0x8;
	[tilespmem:v30+s3+$0x0] =	vst.idx.msk $0xffff, v21  }
0x190: {  	v22 =	vand.u32 $0x380, v25;
	v21 =	vand.u32 $0x3800, v26;
	[tilespmem:v31+s3+$0x0] =	vst.idx.msk $0xffff, v24  }
0x191: {  	v23 =	vld.idx.msk [tilespmem:v23+s16+$0x0], $0xffff  }
0x192: {  	v24 =	vor.u32 v12, v16;
	v17 =	vld.idx.msk [tilespmem:v17+s18+$0x0], $0xffff  }
0x193: {  	v26 =	vor.u32 v13, v16;
	v20 =	vld.idx.msk [tilespmem:v20+s20+$0x0], $0xffff  }
0x194: {  	v27 =	vor.u32 v14, v16;
	v18 =	vld.idx.msk [tilespmem:v18+s24+$0x0], $0xffff  }
0x195: {  	v28 =	vor.u32 v15, v16;
	_ =	sdelay $0x1  }
0x196: {  	[tilespmem:v24+s3+$0x0] =	vst.idx.msk $0xffff, v23  }
0x197: {  	[tilespmem:v26+s3+$0x0] =	vst.idx.msk $0xffff, v17  }
0x198: {  	[tilespmem:v27+s3+$0x0] =	vst.idx.msk $0xffff, v20  }
0x199: {  	v16 =	vor.u32 v22, v21;
	[tilespmem:v28+s3+$0x0] =	vst.idx.msk $0xffff, v18  }
0x19a: {  	v23 =	vor.u32 v0, v16;
	v17 =	vld.idx.msk [tilespmem:v19+s21+$0x0], $0xffff  }
0x19b: {  	v18 =	vld.idx.msk [tilespmem:v19+s1+$0x0], $0xffff  }
0x19c: {  	v27 =	vor.u32 v2, v16  }
0x19d: {  	v28 =	vor.u32 v3, v16;
	v20 =	vld.idx.msk [tilespmem:v19+s22+$0x0], $0xffff  }
0x19e: {  	v19 =	vld.idx.msk [tilespmem:v19+s2+$0x0], $0xffff;
	_ =	sdelay $0x1  }
0x19f: {  	v29 =	vshll.u32 v17, $0x6  }
0x1a0: {  	v30 =	vshll.u32 v18, $0x6;
	v17 =	vor.u32 v0, v29;
	v18 =	vand.u32 $0xFFFFFF80, v29  }
0x1a1: {  	v21 =	vor.u32 v0, v30;
	v22 =	vand.u32 $0xFFFFFF80, v30;
	v24 =	vand.u32 $0x4F, v17  }
0x1a2: {  	v17 =	vadd.s32 v25, v18;
	v21 =	vand.u32 $0x4F, v21;
	v31 =	vadd.s32 v25, v22  }
0x1a3: {  	v20 =	vshll.u32 v20, $0x6;
	v22 =	vor.u32 v24, v17;
	v21 =	vor.u32 v21, v31  }
0x1a4: {  	v19 =	vshll.u32 v19, $0x6;
	v18 =	vor.u32 v0, v20;
	v24 =	vand.u32 $0xFFFFFF80, v20  }
0x1a5: {  	v18 =	vand.u32 $0x4F, v18;
	v32 =	vadd.s32 v25, v24;
	v24 =	vor.u32 v0, v19  }
0x1a6: {  	v33 =	vor.u32 v4, v20;
	v26 =	vor.u32 v18, v32;
	v18 =	vand.u32 $0xFFFFFF80, v19  }
0x1a7: {  	v24 =	vand.u32 $0x4F, v24;
	v18 =	vadd.s32 v25, v18;
	v25 =	vand.u32 $0x5F, v33  }
0x1a8: {  	v33 =	vor.u32 v24, v18;
	v34 =	vor.u32 v25, v32;
	v25 =	vor.u32 v4, v19  }
0x1a9: {  	v35 =	vor.u32 v4, v29;
	v36 =	vor.u32 v8, v20;
	v24 =	vor.u32 v4, v30  }
0x1aa: {  	v37 =	vld.idx.msk [tilespmem:v21+s16+$0x0], $0xffff;
	v21 =	vand.u32 $0x5F, v24;
	v24 =	vand.u32 $0x6F, v36;
	v36 =	vor.u32 v8, v19  }
0x1ab: {  	v38 =	vld.idx.msk [tilespmem:v22+s18+$0x0], $0xffff;
	v39 =	vor.u32 v21, v31;
	v21 =	vor.u32 v24, v32;
	v24 =	vand.u32 $0x6F, v36  }
0x1ac: {  	v40 =	vor.u32 v1, v16;
	v41 =	vor.u32 v8, v29;
	v22 =	vor.u32 v8, v30;
	v36 =	vld.idx.msk [tilespmem:v26+s20+$0x0], $0xffff  }
0x1ad: {  	v20 =	vor.u32 v12, v20;
	v26 =	vand.u32 $0x6F, v22;
	v22 =	vor.u32 v12, v19;
	v33 =	vld.idx.msk [tilespmem:v33+s24+$0x0], $0xffff  }
0x1ae: {  	v20 =	vand.u32 $0x7F, v20;
	v19 =	vor.u32 v12, v30;
	v26 =	vor.u32 v26, v31  }
0x1af: {  	v20 =	vor.u32 v20, v32;
	v30 =	vand.u32 $0x5F, v35;
	v19 =	vand.u32 $0x7F, v19  }
0x1b0: {  	v30 =	vor.u32 v30, v17;
	[tilespmem:v23+s3+$0x0] =	vst.idx.msk $0xffff, v37;
	v23 =	vor.u32 v19, v31  }
0x1b1: {  	v19 =	vand.u32 $0x5F, v25;
	v25 =	vor.u32 v12, v29;
	[tilespmem:v40+s3+$0x0] =	vst.idx.msk $0xffff, v38  }
0x1b2: {  	v19 =	vor.u32 v19, v18;
	[tilespmem:v27+s3+$0x0] =	vst.idx.msk $0xffff, v36  }
0x1b3: {  	[tilespmem:v28+s3+$0x0] =	vst.idx.msk $0xffff, v33  }
0x1b4: {  	v33 =	vld.idx.msk [tilespmem:v39+s16+$0x0], $0xffff  }
0x1b5: {  	v35 =	vor.u32 v4, v16;
	v27 =	vld.idx.msk [tilespmem:v30+s18+$0x0], $0xffff  }
.Ltmp1:
0x1b6: {  	v30 =	vor.u32 v5, v16;
	v28 =	vld.idx.msk [tilespmem:v34+s20+$0x0], $0xffff;
	(pc) =	sbr.rel @p0 .LBB2_5-.Ltmp1, $4  }
0x1b7: {  	v31 =	vor.u32 v6, v16;
	v29 =	vld.idx.msk [tilespmem:v19+s24+$0x0], $0xffff  }
0x1b8: {  	v32 =	vor.u32 v7, v16  }
0x1b9: {  	v34 =	vand.u32 $0x6F, v41  }
0x1ba: {  	v19 =	vmov s8;
	[tilespmem:v35+s3+$0x0] =	vst.idx.msk $0xffff, v33;
	v33 =	vor.u32 v34, v17  }
0x1bb: {  	_ =	sdelay $0x3  }
0x1bc: {  	[tilespmem:v30+s3+$0x0] =	vst.idx.msk $0xffff, v27  }
0x1bd: {  	v24 =	vor.u32 v24, v18;
	[tilespmem:v31+s3+$0x0] =	vst.idx.msk $0xffff, v28  }
0x1be: {  	[tilespmem:v32+s3+$0x0] =	vst.idx.msk $0xffff, v29  }
0x1bf: {  	v43 =	vor.u32 v8, v16;
	v26 =	vld.idx.msk [tilespmem:v26+s16+$0x0], $0xffff  }
0x1c0: {  	v44 =	vor.u32 v9, v16;
	v28 =	vld.idx.msk [tilespmem:v33+s18+$0x0], $0xffff  }
0x1c1: {  	v45 =	vor.u32 v10, v16;
	v21 =	vld.idx.msk [tilespmem:v21+s20+$0x0], $0xffff  }
0x1c2: {  	v46 =	vor.u32 v11, v16;
	v24 =	vld.idx.msk [tilespmem:v24+s24+$0x0], $0xffff  }
0x1c3: {  	v25 =	vand.u32 $0x7F, v25  }
0x1c4: {  	v17 =	vor.u32 v25, v17;
	[tilespmem:v43+s3+$0x0] =	vst.idx.msk $0xffff, v26  }
0x1c5: {  	v22 =	vand.u32 $0x7F, v22;
	[tilespmem:v44+s3+$0x0] =	vst.idx.msk $0xffff, v28  }
0x1c6: {  	v47 =	vor.u32 v22, v18;
	[tilespmem:v45+s3+$0x0] =	vst.idx.msk $0xffff, v21  }
0x1c7: {  	[tilespmem:v46+s3+$0x0] =	vst.idx.msk $0xffff, v24  }
0x1c8: {  	v48 =	vor.u32 v12, v16;
	v21 =	vld.idx.msk [tilespmem:v23+s16+$0x0], $0xffff  }
0x1c9: {  	v49 =	vor.u32 v13, v16;
	v17 =	vld.idx.msk [tilespmem:v17+s18+$0x0], $0xffff  }
0x1ca: {  	v50 =	vor.u32 v14, v16;
	v20 =	vld.idx.msk [tilespmem:v20+s20+$0x0], $0xffff  }
0x1cb: {  	v16 =	vor.u32 v15, v16;
	v18 =	vld.idx.msk [tilespmem:v47+s24+$0x0], $0xffff;
	_ =	sdelay $0x1  }
0x1cc: {  	[tilespmem:v48+s3+$0x0] =	vst.idx.msk $0xffff, v21  }
0x1cd: {  	[tilespmem:v49+s3+$0x0] =	vst.idx.msk $0xffff, v17  }
0x1ce: {  	[tilespmem:v50+s3+$0x0] =	vst.idx.msk $0xffff, v20  }
0x1cf: {  	[tilespmem:v16+s3+$0x0] =	vst.idx.msk $0xffff, v18  }
0x1d0: {  	v16 =	vld.idx.msk [tilespmem:v19+s21+$0x0], $0xffff  }
0x1d1: {  	v17 =	vld.idx.msk [tilespmem:v19+s1+$0x0], $0xffff  }
0x1d2: {  	v18 =	vld.idx.msk [tilespmem:v19+s22+$0x0], $0xffff  }
0x1d3: {  	v53 =	vld.idx.msk [tilespmem:v19+s2+$0x0], $0xffff;
	_ =	sdelay $0x2  }
0x1d4: {  	v51 =	vshll.u32 v19, $0x7  }
0x1d5: {  	v52 =	vshll.u32 v19, $0x8;
	v16 =	vshll.u32 v16, $0x6;
	v17 =	vshll.u32 v17, $0x6  }
0x1d6: {  	v18 =	vshll.u32 v18, $0x6;
	v19 =	vshll.u32 v53, $0x6;
	v54 =	vor.u32 v0, v16  }
0x1d7: {  	v55 =	vand.u32 $0xFFFFFF80, v16;
	v56 =	vor.u32 v0, v17;
	v57 =	vand.u32 $0xFFFFFF80, v17  }
0x1d8: {  	v58 =	vor.u32 v0, v18;
	v59 =	vand.u32 $0xFFFFFF80, v18;
	v60 =	vor.u32 v0, v19  }
0x1d9: {  	v61 =	vand.u32 $0xFFFFFF80, v19;
	v24 =	vand.u32 $0x4F, v56;
	v25 =	vadd.s32 v51, v57  }
0x1da: {  	v22 =	vand.u32 $0x4F, v54;
	v23 =	vadd.s32 v51, v55;
	v24 =	vor.u32 v24, v25  }
0x1db: {  	v26 =	vand.u32 $0x4F, v58;
	v27 =	vadd.s32 v51, v59;
	v22 =	vor.u32 v22, v23  }
0x1dc: {  	v28 =	vand.u32 $0x4F, v60;
	v29 =	vadd.s32 v51, v61;
	v26 =	vor.u32 v26, v27  }
0x1dd: {  	v21 =	vand.u32 $0x3800, v52;
	v20 =	vand.u32 $0x380, v51;
	v28 =	vor.u32 v28, v29  }
0x1de: {  	v20 =	vor.u32 v20, v21  }
0x1df: {  	v21 =	vor.u32 v0, v20;
	v24 =	vld.idx.msk [tilespmem:v24+s16+$0x0], $0xffff  }
0x1e0: {  	v62 =	vor.u32 v1, v20;
	v22 =	vld.idx.msk [tilespmem:v22+s18+$0x0], $0xffff  }
0x1e1: {  	v63 =	vor.u32 v2, v20;
	v40 =	vor.u32 v4, v17;
	v26 =	vld.idx.msk [tilespmem:v26+s20+$0x0], $0xffff  }
0x1e2: {  	v41 =	vor.u32 v3, v20;
	v34 =	vor.u32 v4, v16;
	v32 =	vand.u32 $0x5F, v40;
	v28 =	vld.idx.msk [tilespmem:v28+s24+$0x0], $0xffff  }
0x1e3: {  	v35 =	vor.u32 v4, v18;
	v34 =	vand.u32 $0x5F, v34;
	v32 =	vor.u32 v32, v25  }
0x1e4: {  	v36 =	vor.u32 v4, v19;
	v35 =	vand.u32 $0x5F, v35;
	v42 =	vor.u32 v34, v23;
	[tilespmem:v21+s3+$0x0] =	vst.idx.msk $0xffff, v24  }
0x1e5: {  	v44 =	vand.u32 $0x5F, v36;
	v43 =	vor.u32 v35, v27;
	[tilespmem:v62+s3+$0x0] =	vst.idx.msk $0xffff, v22  }
0x1e6: {  	v22 =	vor.u32 v44, v29;
	[tilespmem:v63+s3+$0x0] =	vst.idx.msk $0xffff, v26  }
0x1e7: {  	[tilespmem:v41+s3+$0x0] =	vst.idx.msk $0xffff, v28  }
0x1e8: {  	v45 =	vor.u32 v4, v20;
	v26 =	vld.idx.msk [tilespmem:v32+s16+$0x0], $0xffff  }
0x1e9: {  	v46 =	vor.u32 v5, v20;
	v21 =	vld.idx.msk [tilespmem:v42+s18+$0x0], $0xffff  }
0x1ea: {  	v48 =	vor.u32 v6, v20;
	v47 =	vor.u32 v8, v17;
	v24 =	vld.idx.msk [tilespmem:v43+s20+$0x0], $0xffff  }
0x1eb: {  	v50 =	vor.u32 v7, v20;
	v49 =	vor.u32 v8, v16;
	v31 =	vand.u32 $0x6F, v47;
	v22 =	vld.idx.msk [tilespmem:v22+s24+$0x0], $0xffff  }
0x1ec: {  	v51 =	vor.u32 v8, v18;
	v33 =	vand.u32 $0x6F, v49;
	v31 =	vor.u32 v31, v25  }
0x1ed: {  	v52 =	vor.u32 v8, v19;
	v35 =	vand.u32 $0x6F, v51;
	v53 =	vor.u32 v33, v23;
	[tilespmem:v45+s3+$0x0] =	vst.idx.msk $0xffff, v26  }
0x1ee: {  	v55 =	vand.u32 $0x6F, v52;
	v54 =	vor.u32 v35, v27;
	[tilespmem:v46+s3+$0x0] =	vst.idx.msk $0xffff, v21  }
0x1ef: {  	v56 =	vor.u32 v55, v29;
	[tilespmem:v48+s3+$0x0] =	vst.idx.msk $0xffff, v24  }
0x1f0: {  	[tilespmem:v50+s3+$0x0] =	vst.idx.msk $0xffff, v22  }
0x1f1: {  	v57 =	vor.u32 v8, v20;
	v22 =	vld.idx.msk [tilespmem:v31+s16+$0x0], $0xffff  }
0x1f2: {  	v58 =	vor.u32 v9, v20;
	v26 =	vld.idx.msk [tilespmem:v53+s18+$0x0], $0xffff  }
0x1f3: {  	v17 =	vor.u32 v12, v17;
	v59 =	vor.u32 v10, v20;
	v28 =	vld.idx.msk [tilespmem:v54+s20+$0x0], $0xffff  }
0x1f4: {  	v16 =	vor.u32 v12, v16;
	v17 =	vand.u32 $0x7F, v17;
	v60 =	vor.u32 v11, v20;
	v21 =	vld.idx.msk [tilespmem:v56+s24+$0x0], $0xffff  }
0x1f5: {  	v18 =	vor.u32 v12, v18;
	v16 =	vand.u32 $0x7F, v16;
	v17 =	vor.u32 v17, v25  }
0x1f6: {  	v19 =	vor.u32 v12, v19;
	v18 =	vand.u32 $0x7F, v18;
	v16 =	vor.u32 v16, v23;
	[tilespmem:v57+s3+$0x0] =	vst.idx.msk $0xffff, v22  }
0x1f7: {  	v19 =	vand.u32 $0x7F, v19;
	v18 =	vor.u32 v18, v27;
	[tilespmem:v58+s3+$0x0] =	vst.idx.msk $0xffff, v26  }
0x1f8: {  	v19 =	vor.u32 v19, v29;
	[tilespmem:v59+s3+$0x0] =	vst.idx.msk $0xffff, v28  }
0x1f9: {  	[tilespmem:v60+s3+$0x0] =	vst.idx.msk $0xffff, v21  }
0x1fa: {  	v61 =	vor.u32 v12, v20;
	v17 =	vld.idx.msk [tilespmem:v17+s16+$0x0], $0xffff  }
0x1fb: {  	v62 =	vor.u32 v13, v20;
	v16 =	vld.idx.msk [tilespmem:v16+s18+$0x0], $0xffff  }
0x1fc: {  	v63 =	vor.u32 v14, v20;
	v18 =	vld.idx.msk [tilespmem:v18+s20+$0x0], $0xffff  }
0x1fd: {  	s4 =	sadd.s32 $0x1, s4;
	v20 =	vor.u32 v15, v20;
	v19 =	vld.idx.msk [tilespmem:v19+s24+$0x0], $0xffff  }
0x1fe: {  	p0 =	sne.s32 s4, $0x40  }
.Ltmp2:
0x1ff: {  	s6 =	sadd.s32 s11, s7;
	[tilespmem:v61+s3+$0x0] =	vst.idx.msk $0xffff, v17;
	(pc) =	sbr.rel @p0 .LBB2_2-.Ltmp2, $4  }
0x200: {  	s6 =	smul.u32 $0x700, s6;
	[tilespmem:v62+s3+$0x0] =	vst.idx.msk $0xffff, v16  }
0x201: {  	[tilespmem:v63+s3+$0x0] =	vst.idx.msk $0xffff, v18  }
0x202: {  	s6 =	sadd.s32 s10, s6;
	[tilespmem:v20+s3+$0x0] =	vst.idx.msk $0xffff, v19  }
0x203: {  	[hbm4b:s6+s9] =	stream.linear.scatter [tilespmem:s3], [sflag:$0x6], $0x3800, $0x38;
	[tilespmem:$0x15C00] =	vst v63  }
0x204: {  	s0 =	simm.s32 $0x5  }
0x205: {  	_ =	swait.ge [sflag:s0], $0x3800  }
0x206: {  	[sflag:s0] =	ssyncset.done $0x0  }
0x207: {  	s4 =	simm.s32 $0x6;
	[sflag:s0] =	ssyncadd.s32 $0xFFFFC800  }
0x208: {  	_ =	swait.ge [sflag:s4], $0x3800  }
0x209: {  	s5 =	rddreg [dreg:$0x17]  }
0x20a: {  	s26 =	rddreg [dreg:$0x16];
	s5 =	sadd.s32 $0x1, s5  }
0x20b: {  	p0 =	sne.s32 s5, s26  }
.Ltmp3:
0x20c: {  	_ = 	snop;
	(pc) =	sbr.rel @p0 .LBB2_1-.Ltmp3, $3  }
0x20d: {  	_ =	sdelay $0x1  }
0x20e: {  	[sflag:s4] =	ssyncset.done $0x0  }
0x20f: {  	[sflag:s4] =	ssyncadd.s32 $0xFFFFC800  }
0x210: {  	_ =	sfence.sel $0x180000  }
0x211: {  	[bflag:$0x0] =	sbarrier.arrive $0xFFFF  }
0x212: {  	_ =	strace $0x90000047  }
0x213: {  	s0 =	stileid.u32;
	[bflag:$0x2] =	sbarrier.arrive $0xFFFF  }
0x214: {  	p0 =	sne.s32 s0, $0x0;
	s0 =	rddreg [dreg:$0x2]  }
0x215: {  	s0 =	sadd.s32 @!p0 $0x100000, s0  }
0x216: {  	[sflag:s0] =	ssyncadd.tile.s32 @!p0 $0x1;
	_ =	shalt  }
.Lfunc_end2:
_tile_overlayer_lowered:
.L_overlay_start_2:
0x217: {  	(tag) =	ssettag $0x2  }
0x218: {  	s0 =	rddreg [dreg:$0x0];
	s2 =	stileid.u32  }
0x219: {  	s1 =	rddreg [dreg:$0x1];
	p0 =	sne.s32 s2, $0x0  }
0x21a: {  	s3 =	rddreg [dreg:$0x2];
	[bflag:$0x3] =	sbarrier.arrive $0xFFFF;
	s2 =	simm.s32 @!p0 $0x1C07  }
0x21b: {  	[timem:s3], [sflag:s2] =	dma.local @!p0 [hbm:s0], s1  }
0x21c: {  	s0 =	simm.s32 @!p0 $0x7  }
0x21d: {  	_ =	swait.ge @!p0 [sflag:s0], s1  }
0x21e: {  	s1 =	ssub.s32 @!p0 $0x0, s1;
	[sflag:s0] =	ssyncset.done @!p0 $0x0  }
0x21f: {  	[sflag:s0] =	ssyncadd.s32 @!p0 s1  }
0x220: {  	[bflag:$0x3] =	sbarrier.arrive $0xFFFF  }
0x221: {  	_ =	shalt  }

</sc_bundles>
